<compile_context>
chip_gen: v7x
topology: tpu7x:2x2x1
jax: 0.10.2.dev20260603
libtpu: 0.0.44.dev20260713+nightly
codegen_flags: <defaults>
</compile_context>

<pallas_src>
import functools

import jax
import jax.numpy as jnp
from jax import lax
from jax.experimental import pallas as pl
from jax.experimental.pallas import tpu as pltpu
from jax.experimental.pallas import tpu_sc as plsc

NT = 16
CHUNK = 128
HALF = 128
IBLK = 40
SPLIT = 1


def _sc_mesh():
    return plsc.VectorSubcoreMesh(core_axis_name="c", subcore_axis_name="s",
                                  num_cores=2, num_subcores=NT)


def _make_deg_kernel(n_pad, n_acc, n_chunks):
    rows_per_tile = n_acc // NT
    out_rows_per_tile = n_pad // NT

    @functools.partial(
        pl.kernel,
        out_type=jax.ShapeDtypeStruct((2 * n_pad, HALF), jnp.float32),
        mesh=_sc_mesh(),
        scratch_types=[
            pltpu.VMEM((n_chunks, CHUNK), jnp.int32),
            pltpu.VMEM((CHUNK, HALF), jnp.float32),
            pltpu.VMEM_SHARED((n_acc, HALF), jnp.float32),
            pltpu.SemaphoreType.DMA,
        ],
    )
    def deg_kernel(idx_hbm, ones_hbm, z_hbm, out_hbm, idx_v, ones_v, acc,
                   sem):
        c = lax.axis_index("c")
        s = lax.axis_index("s")

        pltpu.sync_copy(z_hbm, acc.at[pl.ds(s * rows_per_tile,
                                            rows_per_tile)])
        pltpu.sync_copy(ones_hbm, ones_v)
        pltpu.sync_copy(idx_hbm.at[c * NT + s], idx_v)

        plsc.subcore_barrier()

        def body(j, _):
            pltpu.async_copy(ones_v, acc.at[idx_v.at[j]], sem, add=True)
            return _
        lax.fori_loop(0, n_chunks, body, None)

        def drain(j, _):
            pltpu.make_async_copy(ones_v, acc.at[idx_v.at[j]], sem).wait()
            return _
        lax.fori_loop(0, n_chunks, drain, None)

        plsc.subcore_barrier()

        pltpu.sync_copy(
            acc.at[pl.ds(s * out_rows_per_tile, out_rows_per_tile)],
            out_hbm.at[pl.ds(c * n_pad + s * out_rows_per_tile,
                             out_rows_per_tile)])

    return deg_kernel


def _make_agg_kernel(n_pad, n_acc, n_chunks):
    rows_per_tile = n_acc // NT
    out_rows_per_tile = n_pad // NT
    blocks = n_chunks // IBLK

    @functools.partial(
        pl.kernel,
        out_type=jax.ShapeDtypeStruct((2 * n_pad, HALF), jnp.float32),
        mesh=_sc_mesh(),
        scratch_types=[
            pltpu.VMEM((IBLK * CHUNK,), jnp.int32),
            pltpu.VMEM((IBLK, CHUNK), jnp.int32),
            pltpu.VMEM((CHUNK, HALF), jnp.float32),
            pltpu.VMEM((CHUNK, HALF), jnp.float32),
            pltpu.VMEM_SHARED((n_acc, HALF), jnp.float32),
            pltpu.SemaphoreType.DMA,
            pltpu.SemaphoreType.DMA,
        ],
    )
    def agg_kernel(h_hbm, src_hbm, dst_hbm, z_hbm, out_hbm,
                   src_v, dst_v, buf0, buf1, acc, sem0, sem1):
        c = lax.axis_index("c")
        s = lax.axis_index("s")

        pltpu.sync_copy(z_hbm, acc.at[pl.ds(s * rows_per_tile,
                                            rows_per_tile)])
        plsc.subcore_barrier()

        sub = CHUNK // SPLIT

        def gstart(g, buf, sem):
            for p in range(SPLIT):
                pltpu.async_copy(
                    h_hbm.at[src_v.at[pl.ds(g * CHUNK + p * sub, sub)]],
                    buf.at[pl.ds(p * sub, sub)], sem)

        def gwait(g, buf, sem):
            for p in range(SPLIT):
                pltpu.make_async_copy(
                    h_hbm.at[src_v.at[pl.ds(g * CHUNK + p * sub, sub)]],
                    buf.at[pl.ds(p * sub, sub)], sem).wait()

        def block(b, _):
            off = (c * NT + s) * n_chunks + b * IBLK
            pltpu.sync_copy(src_hbm.at[pl.ds(off * CHUNK, IBLK * CHUNK)],
                            src_v)
            pltpu.sync_copy(
                dst_hbm.at[pl.ds(s * n_chunks + b * IBLK, IBLK)], dst_v)
            gstart(0, buf0, sem0)

            def body(i, _):
                g = 2 * i
                gstart(g + 1, buf1, sem1)
                gwait(g, buf0, sem0)
                pltpu.sync_copy(buf0, acc.at[dst_v.at[g]], add=True)

                @pl.when(g + 2 < IBLK)
                def _():
                    gstart(g + 2, buf0, sem0)

                gwait(g + 1, buf1, sem1)
                pltpu.sync_copy(buf1, acc.at[dst_v.at[g + 1]], add=True)
                return _

            lax.fori_loop(0, IBLK // 2, body, None)
            return _

        lax.fori_loop(0, blocks, block, None)
        plsc.subcore_barrier()
        pltpu.sync_copy(
            acc.at[pl.ds(s * out_rows_per_tile, out_rows_per_tile)],
            out_hbm.at[pl.ds(c * n_pad + s * out_rows_per_tile,
                             out_rows_per_tile)])

    return agg_kernel


def _norm(deg):
    return lax.rsqrt(jnp.clip(deg, 1.0, None))


def _mm_body(x_ref, w_ref, o_ref):
    hw = jnp.dot(x_ref[...], w_ref[...], preferred_element_type=jnp.float32)
    o_ref[0] = hw[:, :HALF]
    o_ref[1] = hw[:, HALF:]


def _scale_body(deg_s_ref, m_ref, o_ref):
    ns = _norm(deg_s_ref[...])
    o_ref[...] = m_ref[...] * ns[None, :, None]


def _mid_body(deg_d_ref, deg_s_ref, m_ref, b_ref, w_ref, o_ref):
    nd = _norm(deg_d_ref[...])
    m = jnp.concatenate([m_ref[0], m_ref[1]], axis=1)
    x = jax.nn.relu(m * nd[:, None] + b_ref[...][None, :])
    ns = _norm(deg_s_ref[...])
    hw = jnp.dot(x * ns[:, None], w_ref[...],
                 preferred_element_type=jnp.float32)
    o_ref[0] = hw[:, :HALF]
    o_ref[1] = hw[:, HALF:]


def _post_body(deg_d_ref, m_ref, b_ref, o_ref):
    nd = _norm(deg_d_ref[...])
    m = jnp.concatenate([m_ref[0], m_ref[1]], axis=1)
    o_ref[...] = m * nd[:, None] + b_ref[...][None, :]


def _tc_mm(x, w, n_pad, blk):
    d = x.shape[1]
    return pl.pallas_call(
        _mm_body,
        grid=(n_pad // blk,),
        in_specs=[
            pl.BlockSpec((blk, d), lambda i: (i, 0)),
            pl.BlockSpec((d, d), lambda i: (0, 0)),
        ],
        out_specs=pl.BlockSpec((2, blk, HALF), lambda i: (0, i, 0)),
        out_shape=jax.ShapeDtypeStruct((2, n_pad, HALF), jnp.float32),
    )(x, w)


def _tc_scale(deg_s, m, n_pad, blk):
    return pl.pallas_call(
        _scale_body,
        grid=(n_pad // blk,),
        in_specs=[
            pl.BlockSpec((blk,), lambda i: (i,)),
            pl.BlockSpec((2, blk, HALF), lambda i: (0, i, 0)),
        ],
        out_specs=pl.BlockSpec((2, blk, HALF), lambda i: (0, i, 0)),
        out_shape=jax.ShapeDtypeStruct((2, n_pad, HALF), jnp.float32),
    )(deg_s, m)


def _tc_mid(deg_d, deg_s, m, b, w, n_pad, blk):
    d = w.shape[0]
    return pl.pallas_call(
        _mid_body,
        grid=(n_pad // blk,),
        in_specs=[
            pl.BlockSpec((blk,), lambda i: (i,)),
            pl.BlockSpec((blk,), lambda i: (i,)),
            pl.BlockSpec((2, blk, HALF), lambda i: (0, i, 0)),
            pl.BlockSpec((d,), lambda i: (0,)),
            pl.BlockSpec((d, d), lambda i: (0, 0)),
        ],
        out_specs=pl.BlockSpec((2, blk, HALF), lambda i: (0, i, 0)),
        out_shape=jax.ShapeDtypeStruct((2, n_pad, HALF), jnp.float32),
    )(deg_d, deg_s, m, b, w)


def _tc_post(deg_d, m, b, n_pad, blk):
    d = b.shape[0]
    return pl.pallas_call(
        _post_body,
        grid=(n_pad // blk,),
        in_specs=[
            pl.BlockSpec((blk,), lambda i: (i,)),
            pl.BlockSpec((2, blk, HALF), lambda i: (0, i, 0)),
            pl.BlockSpec((d,), lambda i: (0,)),
        ],
        out_specs=pl.BlockSpec((blk, d), lambda i: (i, 0)),
        out_shape=jax.ShapeDtypeStruct((n_pad, d), jnp.float32),
    )(deg_d, m, b)


def kernel(features, edge_index, W1, b1, W2, b2, W3, b3):
    n, d = features.shape
    e = edge_index.shape[1]
    assert d == 2 * HALF and e % NT == 0

    blk = 10240
    n_pad = ((n + blk - 1) // blk) * blk
    n_acc = n_pad + 128
    dummy = n_pad
    e_tile = e // NT
    n_chunks = -(-e_tile // CHUNK)
    n_chunks = -(-n_chunks // IBLK) * IBLK

    src = edge_index[0]
    dst = edge_index[1]

    def pad_tiles(idx, fill):
        idx = idx.reshape(NT, e_tile)
        pad = jnp.full((NT, n_chunks * CHUNK - e_tile), fill, jnp.int32)
        return jnp.concatenate([idx, pad], axis=1).reshape(NT, n_chunks, CHUNK)

    src_gather = pad_tiles(src, 0)
    src_count = pad_tiles(src, dummy)
    dst_pad = pad_tiles(dst, dummy)

    src_agg = jnp.concatenate(
        [src_gather, src_gather + n_pad]).reshape(2 * NT * n_chunks * CHUNK)
    dst_flat = dst_pad.reshape(NT * n_chunks, CHUNK)
    idx_deg = jnp.concatenate([src_count, dst_pad])

    ones_in = jnp.ones((CHUNK, HALF), jnp.float32)
    z_in = jnp.zeros((n_acc // NT, HALF), jnp.float32)

    deg_kernel = _make_deg_kernel(n_pad, n_acc, n_chunks)
    agg_kernel = _make_agg_kernel(n_pad, n_acc, n_chunks)

    x = jnp.pad(features, ((0, n_pad - n), (0, 0)))

    deg = deg_kernel(idx_deg, ones_in, z_in)
    deg_s = deg[:n_pad, 0]
    deg_d = deg[n_pad:, 0]

    def agg(h):
        m = agg_kernel(h.reshape(2 * n_pad, HALF), src_agg, dst_flat, z_in)
        return m.reshape(2, n_pad, HALF)

    h = _tc_scale(deg_s, _tc_mm(x, W1, n_pad, blk), n_pad, blk)
    m = agg(h)
    h = _tc_mid(deg_d, deg_s, m, b1, W2, n_pad, blk)
    m = agg(h)
    h = _tc_mid(deg_d, deg_s, m, b2, W3, n_pad, blk)
    m = agg(h)
    out = _tc_post(deg_d, m, b3, n_pad, blk)

    return out[:n]

# --- scband reference (transcript-rebuilt; emitter-appended) ---
"""Pipeline reference for scband-three-layer-gnn-89429809037993 (READ-ONLY COPY).

The authoritative reference and input builder live on the scoring server;
editing this copy changes nothing except your own understanding.
"""

import jax, jax.numpy as jnp
import numpy as np

N = 10000
E = 160000
D = 256


def setup_inputs(seed: int = 0) -> dict:
    key = jax.random.key(seed)
    ks = jax.random.split(key, 10)
    features = jax.random.normal(ks[0], (N, D), dtype=jnp.float32)
    edge_index = jax.random.randint(ks[1], (2, E), 0, N, dtype=jnp.int32)
    s = 1.0 / np.sqrt(D)
    W1 = jax.random.normal(ks[2], (D, D), dtype=jnp.float32) * s
    b1 = jnp.zeros((D,), dtype=jnp.float32)
    W2 = jax.random.normal(ks[3], (D, D), dtype=jnp.float32) * s
    b2 = jnp.zeros((D,), dtype=jnp.float32)
    W3 = jax.random.normal(ks[4], (D, D), dtype=jnp.float32) * s
    b3 = jnp.zeros((D,), dtype=jnp.float32)
    return {"features": features, "edge_index": edge_index, "W1": W1, "b1": b1, "W2": W2, "b2": b2, "W3": W3, "b3": b3}


def _graph_conv(x, src, dst, W, b, n):
    # DGL GraphConv, norm='both': out = D_in^{-1/2} A D_out^{-1/2} X W + b
    deg_out = jnp.bincount(src, length=n).astype(x.dtype)
    deg_in = jnp.bincount(dst, length=n).astype(x.dtype)
    norm_s = jnp.power(jnp.clip(deg_out, 1.0, None), -0.5)
    norm_d = jnp.power(jnp.clip(deg_in, 1.0, None), -0.5)
    h = x * norm_s[:, None]
    h = h @ W
    m = jax.ops.segment_sum(jnp.take(h, src, axis=0), dst, num_segments=n)
    return m * norm_d[:, None] + b


def reference(features, edge_index, W1, b1, W2, b2, W3, b3):
    src = edge_index[0]
    dst = edge_index[1]
    n = features.shape[0]
    x = jax.nn.relu(_graph_conv(features, src, dst, W1, b1, n))
    x = jax.nn.relu(_graph_conv(x, src, dst, W2, b2, n))
    x = _graph_conv(x, src, dst, W3, b3, n)
    return x

if __name__ == "__main__":
    import jax
    _d = setup_inputs()
    print(jax.jit(kernel)(*tuple(_d.values())))

</pallas_src>

<mosaic_0001>
#map = affine_map<(d0, d1) -> (0, 0, 0)>
#map1 = affine_map<(d0, d1) -> (0, 0)>
module attributes {stable_mosaic.version = 14 : i64} {
  func.func @deg_kernel(%arg0: i32, %arg1: i32, %arg2: memref<32x80x128xi32, #tpu.memory_space<hbm>>, %arg3: memref<128x128xf32, #tpu.memory_space<hbm>>, %arg4: memref<648x128xf32, #tpu.memory_space<hbm>>, %arg5: memref<20480x128xf32, #tpu.memory_space<hbm>>, %arg6: memref<80x128xi32, #tpu.memory_space<vmem>>, %arg7: memref<128x128xf32, #tpu.memory_space<vmem>>, %arg8: memref<10368x128xf32, #tpu.memory_space<vmem_shared>>, %arg9: memref<!tpu.dma_semaphore, #tpu.memory_space<semaphore_mem>>) attributes {dimension_semantics = [#tpu.dimension_semantics<core_parallel>, #tpu.dimension_semantics<subcore_parallel>], iteration_bounds = array<i64: 2, 16>, scalar_prefetch = 0 : i64, scratch_operands = 4 : i64, tpu.core_type = #tpu.core_type<sc_vector_subcore>, window_params = [{transform_indices = #map}, {transform_indices = #map1}, {transform_indices = #map1}, {transform_indices = #map1}]} {
    %mul3A = arith.constant 648 : i32
    %mul3A_0 = arith.muli %arg1, %mul3A : i32
    "tpu.region"() ({
      %run_scoped3A = tpu.sem_alloc : memref<!tpu.dma_semaphore, #tpu.memory_space<semaphore_mem>>
      %dma_start3A = arith.constant 0 : i32
      %dma_start3A_20 = tpu.memref_slice %arg8[%mul3A_0, %dma_start3A] : memref<10368x128xf32, #tpu.memory_space<vmem_shared>> -> memref<648x128xf32, #tpu.memory_space<vmem_shared>>
      tpu.enqueue_dma source(%arg4 : memref<648x128xf32, #tpu.memory_space<hbm>>) target(%dma_start3A_20 : memref<648x128xf32, #tpu.memory_space<vmem_shared>>) target_semaphore(%run_scoped3A : memref<!tpu.dma_semaphore, #tpu.memory_space<semaphore_mem>>)
      %dma_wait3A = arith.constant 0 : i32
      %dma_wait3A_21 = tpu.memref_slice %arg8[%mul3A_0, %dma_wait3A] : memref<10368x128xf32, #tpu.memory_space<vmem_shared>> -> memref<648x128xf32, #tpu.memory_space<vmem_shared>>
      tpu.wait_dma2 semaphore(%run_scoped3A : memref<!tpu.dma_semaphore, #tpu.memory_space<semaphore_mem>>) src(%arg4 : memref<648x128xf32, #tpu.memory_space<hbm>>) dst(%dma_wait3A_21 : memref<648x128xf32, #tpu.memory_space<vmem_shared>>)
      tpu.yield
    }) : () -> ()
    "tpu.region"() ({
      %run_scoped3A = tpu.sem_alloc : memref<!tpu.dma_semaphore, #tpu.memory_space<semaphore_mem>>
      tpu.enqueue_dma source(%arg3 : memref<128x128xf32, #tpu.memory_space<hbm>>) target(%arg7 : memref<128x128xf32, #tpu.memory_space<vmem>>) target_semaphore(%run_scoped3A : memref<!tpu.dma_semaphore, #tpu.memory_space<semaphore_mem>>)
      tpu.wait_dma2 semaphore(%run_scoped3A : memref<!tpu.dma_semaphore, #tpu.memory_space<semaphore_mem>>) src(%arg3 : memref<128x128xf32, #tpu.memory_space<hbm>>) dst(%arg7 : memref<128x128xf32, #tpu.memory_space<vmem>>)
      tpu.yield
    }) : () -> ()
    %mul3A_1 = arith.constant 16 : i32
    %mul3A_2 = arith.muli %arg0, %mul3A_1 : i32
    %add3A = arith.addi %mul3A_2, %arg1 : i32
    "tpu.region"() ({
      %run_scoped3A = tpu.sem_alloc : memref<!tpu.dma_semaphore, #tpu.memory_space<semaphore_mem>>
      %dma_start3A = arith.constant 0 : i32
      %dma_start3A_20 = arith.constant 0 : i32
      %dma_start3A_21 = tpu.memref_slice %arg2[%add3A, %dma_start3A, %dma_start3A_20] : memref<32x80x128xi32, #tpu.memory_space<hbm>> -> memref<1x80x128xi32, #tpu.memory_space<hbm>>
      %dma_start3A_22 = tpu.memref_squeeze %dma_start3A_21 : memref<1x80x128xi32, #tpu.memory_space<hbm>> -> memref<80x128xi32, #tpu.memory_space<hbm>>
      %dma_start3A_23 = arith.constant 0 : i32
      %dma_start3A_24 = arith.constant 0 : i32
      %dma_start3A_25 = tpu.memref_slice %arg2[%add3A, %dma_start3A_23, %dma_start3A_24] : memref<32x80x128xi32, #tpu.memory_space<hbm>> -> memref<1x80x128xi32, #tpu.memory_space<hbm>>
      %dma_start3A_26 = tpu.memref_squeeze %dma_start3A_25 : memref<1x80x128xi32, #tpu.memory_space<hbm>> -> memref<80x128xi32, #tpu.memory_space<hbm>>
      tpu.enqueue_dma source(%dma_start3A_26 : memref<80x128xi32, #tpu.memory_space<hbm>>) target(%arg6 : memref<80x128xi32, #tpu.memory_space<vmem>>) target_semaphore(%run_scoped3A : memref<!tpu.dma_semaphore, #tpu.memory_space<semaphore_mem>>)
      %dma_wait3A = arith.constant 0 : i32
      %dma_wait3A_27 = arith.constant 0 : i32
      %dma_wait3A_28 = tpu.memref_slice %arg2[%add3A, %dma_wait3A, %dma_wait3A_27] : memref<32x80x128xi32, #tpu.memory_space<hbm>> -> memref<1x80x128xi32, #tpu.memory_space<hbm>>
      %dma_wait3A_29 = tpu.memref_squeeze %dma_wait3A_28 : memref<1x80x128xi32, #tpu.memory_space<hbm>> -> memref<80x128xi32, #tpu.memory_space<hbm>>
      %dma_wait3A_30 = arith.constant 0 : i32
      %dma_wait3A_31 = arith.constant 0 : i32
      %dma_wait3A_32 = tpu.memref_slice %arg2[%add3A, %dma_wait3A_30, %dma_wait3A_31] : memref<32x80x128xi32, #tpu.memory_space<hbm>> -> memref<1x80x128xi32, #tpu.memory_space<hbm>>
      %dma_wait3A_33 = tpu.memref_squeeze %dma_wait3A_32 : memref<1x80x128xi32, #tpu.memory_space<hbm>> -> memref<80x128xi32, #tpu.memory_space<hbm>>
      tpu.wait_dma2 semaphore(%run_scoped3A : memref<!tpu.dma_semaphore, #tpu.memory_space<semaphore_mem>>) src(%dma_wait3A_33 : memref<80x128xi32, #tpu.memory_space<hbm>>) dst(%arg6 : memref<80x128xi32, #tpu.memory_space<vmem>>)
      tpu.yield
    }) : () -> ()
    %barrier3A = arith.constant 0 : index
    tpu.barrier barrier_id(%barrier3A)
    %scan3A = arith.constant 0 : i32
    %scan3A_3 = arith.constant 80 : i32
    %scan3A_4 = arith.addi %scan3A, %scan3A_3 : i32
    %scan3A_5 = arith.constant 1 : i32
    scf.for %scan3A_20 = %scan3A to %scan3A_4 step %scan3A_5  : i32 {
      %dma_start3A = arith.constant 0 : i32
      %dma_start3A_21 = tpu.memref_slice %arg6[%scan3A_20, %dma_start3A] : memref<80x128xi32, #tpu.memory_space<vmem>> -> memref<1x128xi32, #tpu.memory_space<vmem>>
      %dma_start3A_22 = tpu.memref_squeeze %dma_start3A_21 : memref<1x128xi32, #tpu.memory_space<vmem>> -> memref<128xi32, #tpu.memory_space<vmem>>
      %dma_start3A_23 = arith.constant 0 : i32
      %dma_start3A_24 = arith.constant 0 : i32
      %dma_start3A_25 = tpu.memref_slice %arg8[%dma_start3A_23, %dma_start3A_24] : memref<10368x128xf32, #tpu.memory_space<vmem_shared>> -> memref<10368x128xf32, #tpu.memory_space<vmem_shared>>
      tpu.enqueue_indirect_dma source(%arg7 : memref<128x128xf32, #tpu.memory_space<vmem>>) target(%dma_start3A_25 : memref<10368x128xf32, #tpu.memory_space<vmem_shared>>) offsets(%dma_start3A_22 : memref<128xi32, #tpu.memory_space<vmem>>) semaphore(%arg9 : memref<!tpu.dma_semaphore, #tpu.memory_space<semaphore_mem>>) {add = true}
    }
    %scan3A_6 = arith.constant 80 : i32
    %scan3A_7 = arith.constant 0 : i32
    %scan3A_8 = arith.constant 80 : i32
    %scan3A_9 = arith.addi %scan3A_7, %scan3A_8 : i32
    %scan3A_10 = arith.constant 1 : i32
    scf.for %scan3A_20 = %scan3A_7 to %scan3A_9 step %scan3A_10  : i32 {
      %dma_wait3A = arith.constant 0 : i32
      %dma_wait3A_21 = tpu.memref_slice %arg6[%scan3A_20, %dma_wait3A] : memref<80x128xi32, #tpu.memory_space<vmem>> -> memref<1x128xi32, #tpu.memory_space<vmem>>
      %dma_wait3A_22 = tpu.memref_squeeze %dma_wait3A_21 : memref<1x128xi32, #tpu.memory_space<vmem>> -> memref<128xi32, #tpu.memory_space<vmem>>
      %dma_wait3A_23 = arith.constant 0 : i32
      %dma_wait3A_24 = arith.constant 0 : i32
      %dma_wait3A_25 = tpu.memref_slice %arg8[%dma_wait3A_23, %dma_wait3A_24] : memref<10368x128xf32, #tpu.memory_space<vmem_shared>> -> memref<10368x128xf32, #tpu.memory_space<vmem_shared>>
      tpu.wait_indirect_dma semaphore(%arg9 : memref<!tpu.dma_semaphore, #tpu.memory_space<semaphore_mem>>) src(%arg7 : memref<128x128xf32, #tpu.memory_space<vmem>>) dst(%dma_wait3A_25 : memref<10368x128xf32, #tpu.memory_space<vmem_shared>>)
    }
    %scan3A_11 = arith.constant 80 : i32
    %barrier3A_12 = arith.constant 0 : index
    tpu.barrier barrier_id(%barrier3A_12)
    %mul3A_13 = arith.constant 640 : i32
    %mul3A_14 = arith.muli %arg1, %mul3A_13 : i32
    %mul3A_15 = arith.constant 10240 : i32
    %mul3A_16 = arith.muli %arg0, %mul3A_15 : i32
    %mul3A_17 = arith.constant 640 : i32
    %mul3A_18 = arith.muli %arg1, %mul3A_17 : i32
    %add3A_19 = arith.addi %mul3A_16, %mul3A_18 : i32
    "tpu.region"() ({
      %run_scoped3A = tpu.sem_alloc : memref<!tpu.dma_semaphore, #tpu.memory_space<semaphore_mem>>
      %dma_start3A = arith.constant 0 : i32
      %dma_start3A_20 = tpu.memref_slice %arg5[%add3A_19, %dma_start3A] : memref<20480x128xf32, #tpu.memory_space<hbm>> -> memref<640x128xf32, #tpu.memory_space<hbm>>
      %dma_start3A_21 = arith.constant 0 : i32
      %dma_start3A_22 = tpu.memref_slice %arg8[%mul3A_14, %dma_start3A_21] : memref<10368x128xf32, #tpu.memory_space<vmem_shared>> -> memref<640x128xf32, #tpu.memory_space<vmem_shared>>
      tpu.enqueue_dma source(%dma_start3A_22 : memref<640x128xf32, #tpu.memory_space<vmem_shared>>) target(%dma_start3A_20 : memref<640x128xf32, #tpu.memory_space<hbm>>) target_semaphore(%run_scoped3A : memref<!tpu.dma_semaphore, #tpu.memory_space<semaphore_mem>>)
      %dma_wait3A = arith.constant 0 : i32
      %dma_wait3A_23 = tpu.memref_slice %arg5[%add3A_19, %dma_wait3A] : memref<20480x128xf32, #tpu.memory_space<hbm>> -> memref<640x128xf32, #tpu.memory_space<hbm>>
      %dma_wait3A_24 = arith.constant 0 : i32
      %dma_wait3A_25 = tpu.memref_slice %arg8[%mul3A_14, %dma_wait3A_24] : memref<10368x128xf32, #tpu.memory_space<vmem_shared>> -> memref<640x128xf32, #tpu.memory_space<vmem_shared>>
      tpu.wait_dma2 semaphore(%run_scoped3A : memref<!tpu.dma_semaphore, #tpu.memory_space<semaphore_mem>>) src(%dma_wait3A_25 : memref<640x128xf32, #tpu.memory_space<vmem_shared>>) dst(%dma_wait3A_23 : memref<640x128xf32, #tpu.memory_space<hbm>>)
      tpu.yield
    }) : () -> ()
    return
  }
}

#map = affine_map<(d0, d1) -> (0, 0)>
#map1 = affine_map<(d0, d1) -> (0)>
module attributes {stable_mosaic.version = 14 : i64} {
  func.func @agg_kernel(%arg0: i32, %arg1: i32, %arg2: memref<20480x128xf32, #tpu.memory_space<hbm>>, %arg3: memref<327680xi32, #tpu.memory_space<hbm>>, %arg4: memref<1280x128xi32, #tpu.memory_space<hbm>>, %arg5: memref<648x128xf32, #tpu.memory_space<hbm>>, %arg6: memref<20480x128xf32, #tpu.memory_space<hbm>>, %arg7: memref<5120xi32, #tpu.memory_space<vmem>>, %arg8: memref<40x128xi32, #tpu.memory_space<vmem>>, %arg9: memref<128x128xf32, #tpu.memory_space<vmem>>, %arg10: memref<128x128xf32, #tpu.memory_space<vmem>>, %arg11: memref<10368x128xf32, #tpu.memory_space<vmem_shared>>, %arg12: memref<!tpu.dma_semaphore, #tpu.memory_space<semaphore_mem>>, %arg13: memref<!tpu.dma_semaphore, #tpu.memory_space<semaphore_mem>>) attributes {dimension_semantics = [#tpu.dimension_semantics<core_parallel>, #tpu.dimension_semantics<subcore_parallel>], iteration_bounds = array<i64: 2, 16>, scalar_prefetch = 0 : i64, scratch_operands = 7 : i64, tpu.core_type = #tpu.core_type<sc_vector_subcore>, window_params = [{transform_indices = #map}, {transform_indices = #map1}, {transform_indices = #map}, {transform_indices = #map}, {transform_indices = #map}]} {
    %mul3A = arith.constant 648 : i32
    %mul3A_0 = arith.muli %arg1, %mul3A : i32
    "tpu.region"() ({
      %run_scoped3A = tpu.sem_alloc : memref<!tpu.dma_semaphore, #tpu.memory_space<semaphore_mem>>
      %dma_start3A = arith.constant 0 : i32
      %dma_start3A_12 = tpu.memref_slice %arg11[%mul3A_0, %dma_start3A] : memref<10368x128xf32, #tpu.memory_space<vmem_shared>> -> memref<648x128xf32, #tpu.memory_space<vmem_shared>>
      tpu.enqueue_dma source(%arg5 : memref<648x128xf32, #tpu.memory_space<hbm>>) target(%dma_start3A_12 : memref<648x128xf32, #tpu.memory_space<vmem_shared>>) target_semaphore(%run_scoped3A : memref<!tpu.dma_semaphore, #tpu.memory_space<semaphore_mem>>)
      %dma_wait3A = arith.constant 0 : i32
      %dma_wait3A_13 = tpu.memref_slice %arg11[%mul3A_0, %dma_wait3A] : memref<10368x128xf32, #tpu.memory_space<vmem_shared>> -> memref<648x128xf32, #tpu.memory_space<vmem_shared>>
      tpu.wait_dma2 semaphore(%run_scoped3A : memref<!tpu.dma_semaphore, #tpu.memory_space<semaphore_mem>>) src(%arg5 : memref<648x128xf32, #tpu.memory_space<hbm>>) dst(%dma_wait3A_13 : memref<648x128xf32, #tpu.memory_space<vmem_shared>>)
      tpu.yield
    }) : () -> ()
    %barrier3A = arith.constant 0 : index
    tpu.barrier barrier_id(%barrier3A)
    %scan3A = arith.constant 0 : i32
    %scan3A_1 = arith.constant 2 : i32
    %scan3A_2 = arith.addi %scan3A, %scan3A_1 : i32
    %scan3A_3 = arith.constant 1 : i32
    scf.for %scan3A_12 = %scan3A to %scan3A_2 step %scan3A_3  : i32 {
      %mul3A_13 = arith.constant 16 : i32
      %mul3A_14 = arith.muli %arg0, %mul3A_13 : i32
      %add3A_15 = arith.addi %mul3A_14, %arg1 : i32
      %mul3A_16 = arith.constant 80 : i32
      %mul3A_17 = arith.muli %add3A_15, %mul3A_16 : i32
      %mul3A_18 = arith.constant 40 : i32
      %mul3A_19 = arith.muli %scan3A_12, %mul3A_18 : i32
      %add3A_20 = arith.addi %mul3A_17, %mul3A_19 : i32
      %mul3A_21 = arith.constant 128 : i32
      %mul3A_22 = arith.muli %add3A_20, %mul3A_21 : i32
      "tpu.region"() ({
        %run_scoped3A = tpu.sem_alloc : memref<!tpu.dma_semaphore, #tpu.memory_space<semaphore_mem>>
        %dma_start3A_40 = tpu.memref_slice %arg3[%mul3A_22] : memref<327680xi32, #tpu.memory_space<hbm>> -> memref<5120xi32, #tpu.memory_space<hbm>>
        %dma_start3A_41 = tpu.memref_slice %arg3[%mul3A_22] : memref<327680xi32, #tpu.memory_space<hbm>> -> memref<5120xi32, #tpu.memory_space<hbm>>
        tpu.enqueue_dma source(%dma_start3A_41 : memref<5120xi32, #tpu.memory_space<hbm>>) target(%arg7 : memref<5120xi32, #tpu.memory_space<vmem>>) target_semaphore(%run_scoped3A : memref<!tpu.dma_semaphore, #tpu.memory_space<semaphore_mem>>)
        %dma_wait3A = tpu.memref_slice %arg3[%mul3A_22] : memref<327680xi32, #tpu.memory_space<hbm>> -> memref<5120xi32, #tpu.memory_space<hbm>>
        %dma_wait3A_42 = tpu.memref_slice %arg3[%mul3A_22] : memref<327680xi32, #tpu.memory_space<hbm>> -> memref<5120xi32, #tpu.memory_space<hbm>>
        tpu.wait_dma2 semaphore(%run_scoped3A : memref<!tpu.dma_semaphore, #tpu.memory_space<semaphore_mem>>) src(%dma_wait3A_42 : memref<5120xi32, #tpu.memory_space<hbm>>) dst(%arg7 : memref<5120xi32, #tpu.memory_space<vmem>>)
        tpu.yield
      }) : () -> ()
      %mul3A_23 = arith.constant 80 : i32
      %mul3A_24 = arith.muli %arg1, %mul3A_23 : i32
      %mul3A_25 = arith.constant 40 : i32
      %mul3A_26 = arith.muli %scan3A_12, %mul3A_25 : i32
      %add3A_27 = arith.addi %mul3A_24, %mul3A_26 : i32
      "tpu.region"() ({
        %run_scoped3A = tpu.sem_alloc : memref<!tpu.dma_semaphore, #tpu.memory_space<semaphore_mem>>
        %dma_start3A_40 = arith.constant 0 : i32
        %dma_start3A_41 = tpu.memref_slice %arg4[%add3A_27, %dma_start3A_40] : memref<1280x128xi32, #tpu.memory_space<hbm>> -> memref<40x128xi32, #tpu.memory_space<hbm>>
        %dma_start3A_42 = arith.constant 0 : i32
        %dma_start3A_43 = tpu.memref_slice %arg4[%add3A_27, %dma_start3A_42] : memref<1280x128xi32, #tpu.memory_space<hbm>> -> memref<40x128xi32, #tpu.memory_space<hbm>>
        tpu.enqueue_dma source(%dma_start3A_43 : memref<40x128xi32, #tpu.memory_space<hbm>>) target(%arg8 : memref<40x128xi32, #tpu.memory_space<vmem>>) target_semaphore(%run_scoped3A : memref<!tpu.dma_semaphore, #tpu.memory_space<semaphore_mem>>)
        %dma_wait3A = arith.constant 0 : i32
        %dma_wait3A_44 = tpu.memref_slice %arg4[%add3A_27, %dma_wait3A] : memref<1280x128xi32, #tpu.memory_space<hbm>> -> memref<40x128xi32, #tpu.memory_space<hbm>>
        %dma_wait3A_45 = arith.constant 0 : i32
        %dma_wait3A_46 = tpu.memref_slice %arg4[%add3A_27, %dma_wait3A_45] : memref<1280x128xi32, #tpu.memory_space<hbm>> -> memref<40x128xi32, #tpu.memory_space<hbm>>
        tpu.wait_dma2 semaphore(%run_scoped3A : memref<!tpu.dma_semaphore, #tpu.memory_space<semaphore_mem>>) src(%dma_wait3A_46 : memref<40x128xi32, #tpu.memory_space<hbm>>) dst(%arg8 : memref<40x128xi32, #tpu.memory_space<vmem>>)
        tpu.yield
      }) : () -> ()
      %dma_start3A = arith.constant 0 : i32
      %dma_start3A_28 = arith.constant 0 : i32
      %dma_start3A_29 = tpu.memref_slice %arg9[%dma_start3A, %dma_start3A_28] : memref<128x128xf32, #tpu.memory_space<vmem>> -> memref<128x128xf32, #tpu.memory_space<vmem>>
      %dma_start3A_30 = arith.constant 0 : i32
      %dma_start3A_31 = tpu.memref_slice %arg7[%dma_start3A_30] : memref<5120xi32, #tpu.memory_space<vmem>> -> memref<128xi32, #tpu.memory_space<vmem>>
      %dma_start3A_32 = arith.constant 0 : i32
      %dma_start3A_33 = arith.constant 0 : i32
      %dma_start3A_34 = tpu.memref_slice %arg2[%dma_start3A_32, %dma_start3A_33] : memref<20480x128xf32, #tpu.memory_space<hbm>> -> memref<20480x128xf32, #tpu.memory_space<hbm>>
      tpu.enqueue_indirect_dma source(%dma_start3A_34 : memref<20480x128xf32, #tpu.memory_space<hbm>>) target(%dma_start3A_29 : memref<128x128xf32, #tpu.memory_space<vmem>>) offsets(%dma_start3A_31 : memref<128xi32, #tpu.memory_space<vmem>>) semaphore(%arg12 : memref<!tpu.dma_semaphore, #tpu.memory_space<semaphore_mem>>)
      %scan3A_35 = arith.constant 0 : i32
      %scan3A_36 = arith.constant 20 : i32
      %scan3A_37 = arith.addi %scan3A_35, %scan3A_36 : i32
      %scan3A_38 = arith.constant 1 : i32
      scf.for %scan3A_40 = %scan3A_35 to %scan3A_37 step %scan3A_38  : i32 {
        %mul3A_41 = arith.constant 2 : i32
        %mul3A_42 = arith.muli %mul3A_41, %scan3A_40 : i32
        %add3A_43 = arith.constant 1 : i32
        %add3A_44 = arith.addi %mul3A_42, %add3A_43 : i32
        %mul3A_45 = arith.constant 128 : i32
        %mul3A_46 = arith.muli %add3A_44, %mul3A_45 : i32
        %add3A_47 = arith.constant 0 : i32
        %add3A_48 = arith.addi %mul3A_46, %add3A_47 : i32
        %dma_start3A_49 = arith.constant 0 : i32
        %dma_start3A_50 = arith.constant 0 : i32
        %dma_start3A_51 = tpu.memref_slice %arg10[%dma_start3A_49, %dma_start3A_50] : memref<128x128xf32, #tpu.memory_space<vmem>> -> memref<128x128xf32, #tpu.memory_space<vmem>>
        %dma_start3A_52 = tpu.memref_slice %arg7[%add3A_48] : memref<5120xi32, #tpu.memory_space<vmem>> -> memref<128xi32, #tpu.memory_space<vmem>>
        %dma_start3A_53 = arith.constant 0 : i32
        %dma_start3A_54 = arith.constant 0 : i32
        %dma_start3A_55 = tpu.memref_slice %arg2[%dma_start3A_53, %dma_start3A_54] : memref<20480x128xf32, #tpu.memory_space<hbm>> -> memref<20480x128xf32, #tpu.memory_space<hbm>>
        tpu.enqueue_indirect_dma source(%dma_start3A_55 : memref<20480x128xf32, #tpu.memory_space<hbm>>) target(%dma_start3A_51 : memref<128x128xf32, #tpu.memory_space<vmem>>) offsets(%dma_start3A_52 : memref<128xi32, #tpu.memory_space<vmem>>) semaphore(%arg13 : memref<!tpu.dma_semaphore, #tpu.memory_space<semaphore_mem>>)
        %mul3A_56 = arith.constant 128 : i32
        %mul3A_57 = arith.muli %mul3A_42, %mul3A_56 : i32
        %add3A_58 = arith.constant 0 : i32
        %add3A_59 = arith.addi %mul3A_57, %add3A_58 : i32
        %dma_wait3A = arith.constant 0 : i32
        %dma_wait3A_60 = arith.constant 0 : i32
        %dma_wait3A_61 = tpu.memref_slice %arg9[%dma_wait3A, %dma_wait3A_60] : memref<128x128xf32, #tpu.memory_space<vmem>> -> memref<128x128xf32, #tpu.memory_space<vmem>>
        %dma_wait3A_62 = tpu.memref_slice %arg7[%add3A_59] : memref<5120xi32, #tpu.memory_space<vmem>> -> memref<128xi32, #tpu.memory_space<vmem>>
        %dma_wait3A_63 = arith.constant 0 : i32
        %dma_wait3A_64 = arith.constant 0 : i32
        %dma_wait3A_65 = tpu.memref_slice %arg2[%dma_wait3A_63, %dma_wait3A_64] : memref<20480x128xf32, #tpu.memory_space<hbm>> -> memref<20480x128xf32, #tpu.memory_space<hbm>>
        tpu.wait_indirect_dma semaphore(%arg12 : memref<!tpu.dma_semaphore, #tpu.memory_space<semaphore_mem>>) src(%dma_wait3A_65 : memref<20480x128xf32, #tpu.memory_space<hbm>>) dst(%dma_wait3A_61 : memref<128x128xf32, #tpu.memory_space<vmem>>)
        "tpu.region"() ({
          %run_scoped3A = tpu.sem_alloc : memref<!tpu.dma_semaphore, #tpu.memory_space<semaphore_mem>>
          %dma_start3A_85 = arith.constant 0 : i32
          %dma_start3A_86 = tpu.memref_slice %arg8[%mul3A_42, %dma_start3A_85] : memref<40x128xi32, #tpu.memory_space<vmem>> -> memref<1x128xi32, #tpu.memory_space<vmem>>
          %dma_start3A_87 = tpu.memref_squeeze %dma_start3A_86 : memref<1x128xi32, #tpu.memory_space<vmem>> -> memref<128xi32, #tpu.memory_space<vmem>>
          %dma_start3A_88 = arith.constant 0 : i32
          %dma_start3A_89 = arith.constant 0 : i32
          %dma_start3A_90 = tpu.memref_slice %arg11[%dma_start3A_88, %dma_start3A_89] : memref<10368x128xf32, #tpu.memory_space<vmem_shared>> -> memref<10368x128xf32, #tpu.memory_space<vmem_shared>>
          tpu.enqueue_indirect_dma source(%arg9 : memref<128x128xf32, #tpu.memory_space<vmem>>) target(%dma_start3A_90 : memref<10368x128xf32, #tpu.memory_space<vmem_shared>>) offsets(%dma_start3A_87 : memref<128xi32, #tpu.memory_space<vmem>>) semaphore(%run_scoped3A : memref<!tpu.dma_semaphore, #tpu.memory_space<semaphore_mem>>) {add = true}
          %dma_wait3A_91 = arith.constant 0 : i32
          %dma_wait3A_92 = tpu.memref_slice %arg8[%mul3A_42, %dma_wait3A_91] : memref<40x128xi32, #tpu.memory_space<vmem>> -> memref<1x128xi32, #tpu.memory_space<vmem>>
          %dma_wait3A_93 = tpu.memref_squeeze %dma_wait3A_92 : memref<1x128xi32, #tpu.memory_space<vmem>> -> memref<128xi32, #tpu.memory_space<vmem>>
          %dma_wait3A_94 = arith.constant 0 : i32
          %dma_wait3A_95 = arith.constant 0 : i32
          %dma_wait3A_96 = tpu.memref_slice %arg11[%dma_wait3A_94, %dma_wait3A_95] : memref<10368x128xf32, #tpu.memory_space<vmem_shared>> -> memref<10368x128xf32, #tpu.memory_space<vmem_shared>>
          tpu.wait_indirect_dma semaphore(%run_scoped3A : memref<!tpu.dma_semaphore, #tpu.memory_space<semaphore_mem>>) src(%arg9 : memref<128x128xf32, #tpu.memory_space<vmem>>) dst(%dma_wait3A_96 : memref<10368x128xf32, #tpu.memory_space<vmem_shared>>)
          tpu.yield
        }) : () -> ()
        %add3A_66 = arith.constant 2 : i32
        %add3A_67 = arith.addi %mul3A_42, %add3A_66 : i32
        %lt3A = arith.constant 40 : i32
        %lt3A_68 = arith.cmpi slt, %add3A_67, %lt3A : i32
        %convert_element_type3A = arith.extui %lt3A_68 : i1 to i32
        %cond3A = arith.constant 0 : i32
        %cond3A_69 = arith.cmpi ne, %convert_element_type3A, %cond3A : i32
        scf.if %cond3A_69 {
          %add3A_85 = arith.constant 2 : i32
          %add3A_86 = arith.addi %mul3A_42, %add3A_85 : i32
          %mul3A_87 = arith.constant 128 : i32
          %mul3A_88 = arith.muli %add3A_86, %mul3A_87 : i32
          %add3A_89 = arith.constant 0 : i32
          %add3A_90 = arith.addi %mul3A_88, %add3A_89 : i32
          %dma_start3A_91 = arith.constant 0 : i32
          %dma_start3A_92 = arith.constant 0 : i32
          %dma_start3A_93 = tpu.memref_slice %arg9[%dma_start3A_91, %dma_start3A_92] : memref<128x128xf32, #tpu.memory_space<vmem>> -> memref<128x128xf32, #tpu.memory_space<vmem>>
          %dma_start3A_94 = tpu.memref_slice %arg7[%add3A_90] : memref<5120xi32, #tpu.memory_space<vmem>> -> memref<128xi32, #tpu.memory_space<vmem>>
          %dma_start3A_95 = arith.constant 0 : i32
          %dma_start3A_96 = arith.constant 0 : i32
          %dma_start3A_97 = tpu.memref_slice %arg2[%dma_start3A_95, %dma_start3A_96] : memref<20480x128xf32, #tpu.memory_space<hbm>> -> memref<20480x128xf32, #tpu.memory_space<hbm>>
          tpu.enqueue_indirect_dma source(%dma_start3A_97 : memref<20480x128xf32, #tpu.memory_space<hbm>>) target(%dma_start3A_93 : memref<128x128xf32, #tpu.memory_space<vmem>>) offsets(%dma_start3A_94 : memref<128xi32, #tpu.memory_space<vmem>>) semaphore(%arg12 : memref<!tpu.dma_semaphore, #tpu.memory_space<semaphore_mem>>)
        } else {
        }
        %add3A_70 = arith.constant 1 : i32
        %add3A_71 = arith.addi %mul3A_42, %add3A_70 : i32
        %mul3A_72 = arith.constant 128 : i32
        %mul3A_73 = arith.muli %add3A_71, %mul3A_72 : i32
        %add3A_74 = arith.constant 0 : i32
        %add3A_75 = arith.addi %mul3A_73, %add3A_74 : i32
        %dma_wait3A_76 = arith.constant 0 : i32
        %dma_wait3A_77 = arith.constant 0 : i32
        %dma_wait3A_78 = tpu.memref_slice %arg10[%dma_wait3A_76, %dma_wait3A_77] : memref<128x128xf32, #tpu.memory_space<vmem>> -> memref<128x128xf32, #tpu.memory_space<vmem>>
        %dma_wait3A_79 = tpu.memref_slice %arg7[%add3A_75] : memref<5120xi32, #tpu.memory_space<vmem>> -> memref<128xi32, #tpu.memory_space<vmem>>
        %dma_wait3A_80 = arith.constant 0 : i32
        %dma_wait3A_81 = arith.constant 0 : i32
        %dma_wait3A_82 = tpu.memref_slice %arg2[%dma_wait3A_80, %dma_wait3A_81] : memref<20480x128xf32, #tpu.memory_space<hbm>> -> memref<20480x128xf32, #tpu.memory_space<hbm>>
        tpu.wait_indirect_dma semaphore(%arg13 : memref<!tpu.dma_semaphore, #tpu.memory_space<semaphore_mem>>) src(%dma_wait3A_82 : memref<20480x128xf32, #tpu.memory_space<hbm>>) dst(%dma_wait3A_78 : memref<128x128xf32, #tpu.memory_space<vmem>>)
        %add3A_83 = arith.constant 1 : i32
        %add3A_84 = arith.addi %mul3A_42, %add3A_83 : i32
        "tpu.region"() ({
          %run_scoped3A = tpu.sem_alloc : memref<!tpu.dma_semaphore, #tpu.memory_space<semaphore_mem>>
          %dma_start3A_85 = arith.constant 0 : i32
          %dma_start3A_86 = tpu.memref_slice %arg8[%add3A_84, %dma_start3A_85] : memref<40x128xi32, #tpu.memory_space<vmem>> -> memref<1x128xi32, #tpu.memory_space<vmem>>
          %dma_start3A_87 = tpu.memref_squeeze %dma_start3A_86 : memref<1x128xi32, #tpu.memory_space<vmem>> -> memref<128xi32, #tpu.memory_space<vmem>>
          %dma_start3A_88 = arith.constant 0 : i32
          %dma_start3A_89 = arith.constant 0 : i32
          %dma_start3A_90 = tpu.memref_slice %arg11[%dma_start3A_88, %dma_start3A_89] : memref<10368x128xf32, #tpu.memory_space<vmem_shared>> -> memref<10368x128xf32, #tpu.memory_space<vmem_shared>>
          tpu.enqueue_indirect_dma source(%arg10 : memref<128x128xf32, #tpu.memory_space<vmem>>) target(%dma_start3A_90 : memref<10368x128xf32, #tpu.memory_space<vmem_shared>>) offsets(%dma_start3A_87 : memref<128xi32, #tpu.memory_space<vmem>>) semaphore(%run_scoped3A : memref<!tpu.dma_semaphore, #tpu.memory_space<semaphore_mem>>) {add = true}
          %dma_wait3A_91 = arith.constant 0 : i32
          %dma_wait3A_92 = tpu.memref_slice %arg8[%add3A_84, %dma_wait3A_91] : memref<40x128xi32, #tpu.memory_space<vmem>> -> memref<1x128xi32, #tpu.memory_space<vmem>>
          %dma_wait3A_93 = tpu.memref_squeeze %dma_wait3A_92 : memref<1x128xi32, #tpu.memory_space<vmem>> -> memref<128xi32, #tpu.memory_space<vmem>>
          %dma_wait3A_94 = arith.constant 0 : i32
          %dma_wait3A_95 = arith.constant 0 : i32
          %dma_wait3A_96 = tpu.memref_slice %arg11[%dma_wait3A_94, %dma_wait3A_95] : memref<10368x128xf32, #tpu.memory_space<vmem_shared>> -> memref<10368x128xf32, #tpu.memory_space<vmem_shared>>
          tpu.wait_indirect_dma semaphore(%run_scoped3A : memref<!tpu.dma_semaphore, #tpu.memory_space<semaphore_mem>>) src(%arg10 : memref<128x128xf32, #tpu.memory_space<vmem>>) dst(%dma_wait3A_96 : memref<10368x128xf32, #tpu.memory_space<vmem_shared>>)
          tpu.yield
        }) : () -> ()
      }
      %scan3A_39 = arith.constant 20 : i32
    }
    %scan3A_4 = arith.constant 2 : i32
    %barrier3A_5 = arith.constant 0 : index
    tpu.barrier barrier_id(%barrier3A_5)
    %mul3A_6 = arith.constant 640 : i32
    %mul3A_7 = arith.muli %arg1, %mul3A_6 : i32
    %mul3A_8 = arith.constant 10240 : i32
    %mul3A_9 = arith.muli %arg0, %mul3A_8 : i32
    %mul3A_10 = arith.constant 640 : i32
    %mul3A_11 = arith.muli %arg1, %mul3A_10 : i32
    %add3A = arith.addi %mul3A_9, %mul3A_11 : i32
    "tpu.region"() ({
      %run_scoped3A = tpu.sem_alloc : memref<!tpu.dma_semaphore, #tpu.memory_space<semaphore_mem>>
      %dma_start3A = arith.constant 0 : i32
      %dma_start3A_12 = tpu.memref_slice %arg6[%add3A, %dma_start3A] : memref<20480x128xf32, #tpu.memory_space<hbm>> -> memref<640x128xf32, #tpu.memory_space<hbm>>
      %dma_start3A_13 = arith.constant 0 : i32
      %dma_start3A_14 = tpu.memref_slice %arg11[%mul3A_7, %dma_start3A_13] : memref<10368x128xf32, #tpu.memory_space<vmem_shared>> -> memref<640x128xf32, #tpu.memory_space<vmem_shared>>
      tpu.enqueue_dma source(%dma_start3A_14 : memref<640x128xf32, #tpu.memory_space<vmem_shared>>) target(%dma_start3A_12 : memref<640x128xf32, #tpu.memory_space<hbm>>) target_semaphore(%run_scoped3A : memref<!tpu.dma_semaphore, #tpu.memory_space<semaphore_mem>>)
      %dma_wait3A = arith.constant 0 : i32
      %dma_wait3A_15 = tpu.memref_slice %arg6[%add3A, %dma_wait3A] : memref<20480x128xf32, #tpu.memory_space<hbm>> -> memref<640x128xf32, #tpu.memory_space<hbm>>
      %dma_wait3A_16 = arith.constant 0 : i32
      %dma_wait3A_17 = tpu.memref_slice %arg11[%mul3A_7, %dma_wait3A_16] : memref<10368x128xf32, #tpu.memory_space<vmem_shared>> -> memref<640x128xf32, #tpu.memory_space<vmem_shared>>
      tpu.wait_dma2 semaphore(%run_scoped3A : memref<!tpu.dma_semaphore, #tpu.memory_space<semaphore_mem>>) src(%dma_wait3A_17 : memref<640x128xf32, #tpu.memory_space<vmem_shared>>) dst(%dma_wait3A_15 : memref<640x128xf32, #tpu.memory_space<hbm>>)
      tpu.yield
    }) : () -> ()
    return
  }
}

#map = affine_map<(d0, d1) -> (0, 0)>
#map1 = affine_map<(d0, d1) -> (0)>
module attributes {stable_mosaic.version = 14 : i64} {
  func.func @agg_kernel(%arg0: i32, %arg1: i32, %arg2: memref<20480x128xf32, #tpu.memory_space<hbm>>, %arg3: memref<327680xi32, #tpu.memory_space<hbm>>, %arg4: memref<1280x128xi32, #tpu.memory_space<hbm>>, %arg5: memref<648x128xf32, #tpu.memory_space<hbm>>, %arg6: memref<20480x128xf32, #tpu.memory_space<hbm>>, %arg7: memref<5120xi32, #tpu.memory_space<vmem>>, %arg8: memref<40x128xi32, #tpu.memory_space<vmem>>, %arg9: memref<128x128xf32, #tpu.memory_space<vmem>>, %arg10: memref<128x128xf32, #tpu.memory_space<vmem>>, %arg11: memref<10368x128xf32, #tpu.memory_space<vmem_shared>>, %arg12: memref<!tpu.dma_semaphore, #tpu.memory_space<semaphore_mem>>, %arg13: memref<!tpu.dma_semaphore, #tpu.memory_space<semaphore_mem>>) attributes {dimension_semantics = [#tpu.dimension_semantics<core_parallel>, #tpu.dimension_semantics<subcore_parallel>], iteration_bounds = array<i64: 2, 16>, scalar_prefetch = 0 : i64, scratch_operands = 7 : i64, tpu.core_type = #tpu.core_type<sc_vector_subcore>, window_params = [{transform_indices = #map}, {transform_indices = #map1}, {transform_indices = #map}, {transform_indices = #map}, {transform_indices = #map}]} {
    %mul3A = arith.constant 648 : i32
    %mul3A_0 = arith.muli %arg1, %mul3A : i32
    "tpu.region"() ({
      %run_scoped3A = tpu.sem_alloc : memref<!tpu.dma_semaphore, #tpu.memory_space<semaphore_mem>>
      %dma_start3A = arith.constant 0 : i32
      %dma_start3A_12 = tpu.memref_slice %arg11[%mul3A_0, %dma_start3A] : memref<10368x128xf32, #tpu.memory_space<vmem_shared>> -> memref<648x128xf32, #tpu.memory_space<vmem_shared>>
      tpu.enqueue_dma source(%arg5 : memref<648x128xf32, #tpu.memory_space<hbm>>) target(%dma_start3A_12 : memref<648x128xf32, #tpu.memory_space<vmem_shared>>) target_semaphore(%run_scoped3A : memref<!tpu.dma_semaphore, #tpu.memory_space<semaphore_mem>>)
      %dma_wait3A = arith.constant 0 : i32
      %dma_wait3A_13 = tpu.memref_slice %arg11[%mul3A_0, %dma_wait3A] : memref<10368x128xf32, #tpu.memory_space<vmem_shared>> -> memref<648x128xf32, #tpu.memory_space<vmem_shared>>
      tpu.wait_dma2 semaphore(%run_scoped3A : memref<!tpu.dma_semaphore, #tpu.memory_space<semaphore_mem>>) src(%arg5 : memref<648x128xf32, #tpu.memory_space<hbm>>) dst(%dma_wait3A_13 : memref<648x128xf32, #tpu.memory_space<vmem_shared>>)
      tpu.yield
    }) : () -> ()
    %barrier3A = arith.constant 0 : index
    tpu.barrier barrier_id(%barrier3A)
    %scan3A = arith.constant 0 : i32
    %scan3A_1 = arith.constant 2 : i32
    %scan3A_2 = arith.addi %scan3A, %scan3A_1 : i32
    %scan3A_3 = arith.constant 1 : i32
    scf.for %scan3A_12 = %scan3A to %scan3A_2 step %scan3A_3  : i32 {
      %mul3A_13 = arith.constant 16 : i32
      %mul3A_14 = arith.muli %arg0, %mul3A_13 : i32
      %add3A_15 = arith.addi %mul3A_14, %arg1 : i32
      %mul3A_16 = arith.constant 80 : i32
      %mul3A_17 = arith.muli %add3A_15, %mul3A_16 : i32
      %mul3A_18 = arith.constant 40 : i32
      %mul3A_19 = arith.muli %scan3A_12, %mul3A_18 : i32
      %add3A_20 = arith.addi %mul3A_17, %mul3A_19 : i32
      %mul3A_21 = arith.constant 128 : i32
      %mul3A_22 = arith.muli %add3A_20, %mul3A_21 : i32
      "tpu.region"() ({
        %run_scoped3A = tpu.sem_alloc : memref<!tpu.dma_semaphore, #tpu.memory_space<semaphore_mem>>
        %dma_start3A_40 = tpu.memref_slice %arg3[%mul3A_22] : memref<327680xi32, #tpu.memory_space<hbm>> -> memref<5120xi32, #tpu.memory_space<hbm>>
        %dma_start3A_41 = tpu.memref_slice %arg3[%mul3A_22] : memref<327680xi32, #tpu.memory_space<hbm>> -> memref<5120xi32, #tpu.memory_space<hbm>>
        tpu.enqueue_dma source(%dma_start3A_41 : memref<5120xi32, #tpu.memory_space<hbm>>) target(%arg7 : memref<5120xi32, #tpu.memory_space<vmem>>) target_semaphore(%run_scoped3A : memref<!tpu.dma_semaphore, #tpu.memory_space<semaphore_mem>>)
        %dma_wait3A = tpu.memref_slice %arg3[%mul3A_22] : memref<327680xi32, #tpu.memory_space<hbm>> -> memref<5120xi32, #tpu.memory_space<hbm>>
        %dma_wait3A_42 = tpu.memref_slice %arg3[%mul3A_22] : memref<327680xi32, #tpu.memory_space<hbm>> -> memref<5120xi32, #tpu.memory_space<hbm>>
        tpu.wait_dma2 semaphore(%run_scoped3A : memref<!tpu.dma_semaphore, #tpu.memory_space<semaphore_mem>>) src(%dma_wait3A_42 : memref<5120xi32, #tpu.memory_space<hbm>>) dst(%arg7 : memref<5120xi32, #tpu.memory_space<vmem>>)
        tpu.yield
      }) : () -> ()
      %mul3A_23 = arith.constant 80 : i32
      %mul3A_24 = arith.muli %arg1, %mul3A_23 : i32
      %mul3A_25 = arith.constant 40 : i32
      %mul3A_26 = arith.muli %scan3A_12, %mul3A_25 : i32
      %add3A_27 = arith.addi %mul3A_24, %mul3A_26 : i32
      "tpu.region"() ({
        %run_scoped3A = tpu.sem_alloc : memref<!tpu.dma_semaphore, #tpu.memory_space<semaphore_mem>>
        %dma_start3A_40 = arith.constant 0 : i32
        %dma_start3A_41 = tpu.memref_slice %arg4[%add3A_27, %dma_start3A_40] : memref<1280x128xi32, #tpu.memory_space<hbm>> -> memref<40x128xi32, #tpu.memory_space<hbm>>
        %dma_start3A_42 = arith.constant 0 : i32
        %dma_start3A_43 = tpu.memref_slice %arg4[%add3A_27, %dma_start3A_42] : memref<1280x128xi32, #tpu.memory_space<hbm>> -> memref<40x128xi32, #tpu.memory_space<hbm>>
        tpu.enqueue_dma source(%dma_start3A_43 : memref<40x128xi32, #tpu.memory_space<hbm>>) target(%arg8 : memref<40x128xi32, #tpu.memory_space<vmem>>) target_semaphore(%run_scoped3A : memref<!tpu.dma_semaphore, #tpu.memory_space<semaphore_mem>>)
        %dma_wait3A = arith.constant 0 : i32
        %dma_wait3A_44 = tpu.memref_slice %arg4[%add3A_27, %dma_wait3A] : memref<1280x128xi32, #tpu.memory_space<hbm>> -> memref<40x128xi32, #tpu.memory_space<hbm>>
        %dma_wait3A_45 = arith.constant 0 : i32
        %dma_wait3A_46 = tpu.memref_slice %arg4[%add3A_27, %dma_wait3A_45] : memref<1280x128xi32, #tpu.memory_space<hbm>> -> memref<40x128xi32, #tpu.memory_space<hbm>>
        tpu.wait_dma2 semaphore(%run_scoped3A : memref<!tpu.dma_semaphore, #tpu.memory_space<semaphore_mem>>) src(%dma_wait3A_46 : memref<40x128xi32, #tpu.memory_space<hbm>>) dst(%arg8 : memref<40x128xi32, #tpu.memory_space<vmem>>)
        tpu.yield
      }) : () -> ()
      %dma_start3A = arith.constant 0 : i32
      %dma_start3A_28 = arith.constant 0 : i32
      %dma_start3A_29 = tpu.memref_slice %arg9[%dma_start3A, %dma_start3A_28] : memref<128x128xf32, #tpu.memory_space<vmem>> -> memref<128x128xf32, #tpu.memory_space<vmem>>
      %dma_start3A_30 = arith.constant 0 : i32
      %dma_start3A_31 = tpu.memref_slice %arg7[%dma_start3A_30] : memref<5120xi32, #tpu.memory_space<vmem>> -> memref<128xi32, #tpu.memory_space<vmem>>
      %dma_start3A_32 = arith.constant 0 : i32
      %dma_start3A_33 = arith.constant 0 : i32
      %dma_start3A_34 = tpu.memref_slice %arg2[%dma_start3A_32, %dma_start3A_33] : memref<20480x128xf32, #tpu.memory_space<hbm>> -> memref<20480x128xf32, #tpu.memory_space<hbm>>
      tpu.enqueue_indirect_dma source(%dma_start3A_34 : memref<20480x128xf32, #tpu.memory_space<hbm>>) target(%dma_start3A_29 : memref<128x128xf32, #tpu.memory_space<vmem>>) offsets(%dma_start3A_31 : memref<128xi32, #tpu.memory_space<vmem>>) semaphore(%arg12 : memref<!tpu.dma_semaphore, #tpu.memory_space<semaphore_mem>>)
      %scan3A_35 = arith.constant 0 : i32
      %scan3A_36 = arith.constant 20 : i32
      %scan3A_37 = arith.addi %scan3A_35, %scan3A_36 : i32
      %scan3A_38 = arith.constant 1 : i32
      scf.for %scan3A_40 = %scan3A_35 to %scan3A_37 step %scan3A_38  : i32 {
        %mul3A_41 = arith.constant 2 : i32
        %mul3A_42 = arith.muli %mul3A_41, %scan3A_40 : i32
        %add3A_43 = arith.constant 1 : i32
        %add3A_44 = arith.addi %mul3A_42, %add3A_43 : i32
        %mul3A_45 = arith.constant 128 : i32
        %mul3A_46 = arith.muli %add3A_44, %mul3A_45 : i32
        %add3A_47 = arith.constant 0 : i32
        %add3A_48 = arith.addi %mul3A_46, %add3A_47 : i32
        %dma_start3A_49 = arith.constant 0 : i32
        %dma_start3A_50 = arith.constant 0 : i32
        %dma_start3A_51 = tpu.memref_slice %arg10[%dma_start3A_49, %dma_start3A_50] : memref<128x128xf32, #tpu.memory_space<vmem>> -> memref<128x128xf32, #tpu.memory_space<vmem>>
        %dma_start3A_52 = tpu.memref_slice %arg7[%add3A_48] : memref<5120xi32, #tpu.memory_space<vmem>> -> memref<128xi32, #tpu.memory_space<vmem>>
        %dma_start3A_53 = arith.constant 0 : i32
        %dma_start3A_54 = arith.constant 0 : i32
        %dma_start3A_55 = tpu.memref_slice %arg2[%dma_start3A_53, %dma_start3A_54] : memref<20480x128xf32, #tpu.memory_space<hbm>> -> memref<20480x128xf32, #tpu.memory_space<hbm>>
        tpu.enqueue_indirect_dma source(%dma_start3A_55 : memref<20480x128xf32, #tpu.memory_space<hbm>>) target(%dma_start3A_51 : memref<128x128xf32, #tpu.memory_space<vmem>>) offsets(%dma_start3A_52 : memref<128xi32, #tpu.memory_space<vmem>>) semaphore(%arg13 : memref<!tpu.dma_semaphore, #tpu.memory_space<semaphore_mem>>)
        %mul3A_56 = arith.constant 128 : i32
        %mul3A_57 = arith.muli %mul3A_42, %mul3A_56 : i32
        %add3A_58 = arith.constant 0 : i32
        %add3A_59 = arith.addi %mul3A_57, %add3A_58 : i32
        %dma_wait3A = arith.constant 0 : i32
        %dma_wait3A_60 = arith.constant 0 : i32
        %dma_wait3A_61 = tpu.memref_slice %arg9[%dma_wait3A, %dma_wait3A_60] : memref<128x128xf32, #tpu.memory_space<vmem>> -> memref<128x128xf32, #tpu.memory_space<vmem>>
        %dma_wait3A_62 = tpu.memref_slice %arg7[%add3A_59] : memref<5120xi32, #tpu.memory_space<vmem>> -> memref<128xi32, #tpu.memory_space<vmem>>
        %dma_wait3A_63 = arith.constant 0 : i32
        %dma_wait3A_64 = arith.constant 0 : i32
        %dma_wait3A_65 = tpu.memref_slice %arg2[%dma_wait3A_63, %dma_wait3A_64] : memref<20480x128xf32, #tpu.memory_space<hbm>> -> memref<20480x128xf32, #tpu.memory_space<hbm>>
        tpu.wait_indirect_dma semaphore(%arg12 : memref<!tpu.dma_semaphore, #tpu.memory_space<semaphore_mem>>) src(%dma_wait3A_65 : memref<20480x128xf32, #tpu.memory_space<hbm>>) dst(%dma_wait3A_61 : memref<128x128xf32, #tpu.memory_space<vmem>>)
        "tpu.region"() ({
          %run_scoped3A = tpu.sem_alloc : memref<!tpu.dma_semaphore, #tpu.memory_space<semaphore_mem>>
          %dma_start3A_85 = arith.constant 0 : i32
          %dma_start3A_86 = tpu.memref_slice %arg8[%mul3A_42, %dma_start3A_85] : memref<40x128xi32, #tpu.memory_space<vmem>> -> memref<1x128xi32, #tpu.memory_space<vmem>>
          %dma_start3A_87 = tpu.memref_squeeze %dma_start3A_86 : memref<1x128xi32, #tpu.memory_space<vmem>> -> memref<128xi32, #tpu.memory_space<vmem>>
          %dma_start3A_88 = arith.constant 0 : i32
          %dma_start3A_89 = arith.constant 0 : i32
          %dma_start3A_90 = tpu.memref_slice %arg11[%dma_start3A_88, %dma_start3A_89] : memref<10368x128xf32, #tpu.memory_space<vmem_shared>> -> memref<10368x128xf32, #tpu.memory_space<vmem_shared>>
          tpu.enqueue_indirect_dma source(%arg9 : memref<128x128xf32, #tpu.memory_space<vmem>>) target(%dma_start3A_90 : memref<10368x128xf32, #tpu.memory_space<vmem_shared>>) offsets(%dma_start3A_87 : memref<128xi32, #tpu.memory_space<vmem>>) semaphore(%run_scoped3A : memref<!tpu.dma_semaphore, #tpu.memory_space<semaphore_mem>>) {add = true}
          %dma_wait3A_91 = arith.constant 0 : i32
          %dma_wait3A_92 = tpu.memref_slice %arg8[%mul3A_42, %dma_wait3A_91] : memref<40x128xi32, #tpu.memory_space<vmem>> -> memref<1x128xi32, #tpu.memory_space<vmem>>
          %dma_wait3A_93 = tpu.memref_squeeze %dma_wait3A_92 : memref<1x128xi32, #tpu.memory_space<vmem>> -> memref<128xi32, #tpu.memory_space<vmem>>
          %dma_wait3A_94 = arith.constant 0 : i32
          %dma_wait3A_95 = arith.constant 0 : i32
          %dma_wait3A_96 = tpu.memref_slice %arg11[%dma_wait3A_94, %dma_wait3A_95] : memref<10368x128xf32, #tpu.memory_space<vmem_shared>> -> memref<10368x128xf32, #tpu.memory_space<vmem_shared>>
          tpu.wait_indirect_dma semaphore(%run_scoped3A : memref<!tpu.dma_semaphore, #tpu.memory_space<semaphore_mem>>) src(%arg9 : memref<128x128xf32, #tpu.memory_space<vmem>>) dst(%dma_wait3A_96 : memref<10368x128xf32, #tpu.memory_space<vmem_shared>>)
          tpu.yield
        }) : () -> ()
        %add3A_66 = arith.constant 2 : i32
        %add3A_67 = arith.addi %mul3A_42, %add3A_66 : i32
        %lt3A = arith.constant 40 : i32
        %lt3A_68 = arith.cmpi slt, %add3A_67, %lt3A : i32
        %convert_element_type3A = arith.extui %lt3A_68 : i1 to i32
        %cond3A = arith.constant 0 : i32
        %cond3A_69 = arith.cmpi ne, %convert_element_type3A, %cond3A : i32
        scf.if %cond3A_69 {
          %add3A_85 = arith.constant 2 : i32
          %add3A_86 = arith.addi %mul3A_42, %add3A_85 : i32
          %mul3A_87 = arith.constant 128 : i32
          %mul3A_88 = arith.muli %add3A_86, %mul3A_87 : i32
          %add3A_89 = arith.constant 0 : i32
          %add3A_90 = arith.addi %mul3A_88, %add3A_89 : i32
          %dma_start3A_91 = arith.constant 0 : i32
          %dma_start3A_92 = arith.constant 0 : i32
          %dma_start3A_93 = tpu.memref_slice %arg9[%dma_start3A_91, %dma_start3A_92] : memref<128x128xf32, #tpu.memory_space<vmem>> -> memref<128x128xf32, #tpu.memory_space<vmem>>
          %dma_start3A_94 = tpu.memref_slice %arg7[%add3A_90] : memref<5120xi32, #tpu.memory_space<vmem>> -> memref<128xi32, #tpu.memory_space<vmem>>
          %dma_start3A_95 = arith.constant 0 : i32
          %dma_start3A_96 = arith.constant 0 : i32
          %dma_start3A_97 = tpu.memref_slice %arg2[%dma_start3A_95, %dma_start3A_96] : memref<20480x128xf32, #tpu.memory_space<hbm>> -> memref<20480x128xf32, #tpu.memory_space<hbm>>
          tpu.enqueue_indirect_dma source(%dma_start3A_97 : memref<20480x128xf32, #tpu.memory_space<hbm>>) target(%dma_start3A_93 : memref<128x128xf32, #tpu.memory_space<vmem>>) offsets(%dma_start3A_94 : memref<128xi32, #tpu.memory_space<vmem>>) semaphore(%arg12 : memref<!tpu.dma_semaphore, #tpu.memory_space<semaphore_mem>>)
        } else {
        }
        %add3A_70 = arith.constant 1 : i32
        %add3A_71 = arith.addi %mul3A_42, %add3A_70 : i32
        %mul3A_72 = arith.constant 128 : i32
        %mul3A_73 = arith.muli %add3A_71, %mul3A_72 : i32
        %add3A_74 = arith.constant 0 : i32
        %add3A_75 = arith.addi %mul3A_73, %add3A_74 : i32
        %dma_wait3A_76 = arith.constant 0 : i32
        %dma_wait3A_77 = arith.constant 0 : i32
        %dma_wait3A_78 = tpu.memref_slice %arg10[%dma_wait3A_76, %dma_wait3A_77] : memref<128x128xf32, #tpu.memory_space<vmem>> -> memref<128x128xf32, #tpu.memory_space<vmem>>
        %dma_wait3A_79 = tpu.memref_slice %arg7[%add3A_75] : memref<5120xi32, #tpu.memory_space<vmem>> -> memref<128xi32, #tpu.memory_space<vmem>>
        %dma_wait3A_80 = arith.constant 0 : i32
        %dma_wait3A_81 = arith.constant 0 : i32
        %dma_wait3A_82 = tpu.memref_slice %arg2[%dma_wait3A_80, %dma_wait3A_81] : memref<20480x128xf32, #tpu.memory_space<hbm>> -> memref<20480x128xf32, #tpu.memory_space<hbm>>
        tpu.wait_indirect_dma semaphore(%arg13 : memref<!tpu.dma_semaphore, #tpu.memory_space<semaphore_mem>>) src(%dma_wait3A_82 : memref<20480x128xf32, #tpu.memory_space<hbm>>) dst(%dma_wait3A_78 : memref<128x128xf32, #tpu.memory_space<vmem>>)
        %add3A_83 = arith.constant 1 : i32
        %add3A_84 = arith.addi %mul3A_42, %add3A_83 : i32
        "tpu.region"() ({
          %run_scoped3A = tpu.sem_alloc : memref<!tpu.dma_semaphore, #tpu.memory_space<semaphore_mem>>
          %dma_start3A_85 = arith.constant 0 : i32
          %dma_start3A_86 = tpu.memref_slice %arg8[%add3A_84, %dma_start3A_85] : memref<40x128xi32, #tpu.memory_space<vmem>> -> memref<1x128xi32, #tpu.memory_space<vmem>>
          %dma_start3A_87 = tpu.memref_squeeze %dma_start3A_86 : memref<1x128xi32, #tpu.memory_space<vmem>> -> memref<128xi32, #tpu.memory_space<vmem>>
          %dma_start3A_88 = arith.constant 0 : i32
          %dma_start3A_89 = arith.constant 0 : i32
          %dma_start3A_90 = tpu.memref_slice %arg11[%dma_start3A_88, %dma_start3A_89] : memref<10368x128xf32, #tpu.memory_space<vmem_shared>> -> memref<10368x128xf32, #tpu.memory_space<vmem_shared>>
          tpu.enqueue_indirect_dma source(%arg10 : memref<128x128xf32, #tpu.memory_space<vmem>>) target(%dma_start3A_90 : memref<10368x128xf32, #tpu.memory_space<vmem_shared>>) offsets(%dma_start3A_87 : memref<128xi32, #tpu.memory_space<vmem>>) semaphore(%run_scoped3A : memref<!tpu.dma_semaphore, #tpu.memory_space<semaphore_mem>>) {add = true}
          %dma_wait3A_91 = arith.constant 0 : i32
          %dma_wait3A_92 = tpu.memref_slice %arg8[%add3A_84, %dma_wait3A_91] : memref<40x128xi32, #tpu.memory_space<vmem>> -> memref<1x128xi32, #tpu.memory_space<vmem>>
          %dma_wait3A_93 = tpu.memref_squeeze %dma_wait3A_92 : memref<1x128xi32, #tpu.memory_space<vmem>> -> memref<128xi32, #tpu.memory_space<vmem>>
          %dma_wait3A_94 = arith.constant 0 : i32
          %dma_wait3A_95 = arith.constant 0 : i32
          %dma_wait3A_96 = tpu.memref_slice %arg11[%dma_wait3A_94, %dma_wait3A_95] : memref<10368x128xf32, #tpu.memory_space<vmem_shared>> -> memref<10368x128xf32, #tpu.memory_space<vmem_shared>>
          tpu.wait_indirect_dma semaphore(%run_scoped3A : memref<!tpu.dma_semaphore, #tpu.memory_space<semaphore_mem>>) src(%arg10 : memref<128x128xf32, #tpu.memory_space<vmem>>) dst(%dma_wait3A_96 : memref<10368x128xf32, #tpu.memory_space<vmem_shared>>)
          tpu.yield
        }) : () -> ()
      }
      %scan3A_39 = arith.constant 20 : i32
    }
    %scan3A_4 = arith.constant 2 : i32
    %barrier3A_5 = arith.constant 0 : index
    tpu.barrier barrier_id(%barrier3A_5)
    %mul3A_6 = arith.constant 640 : i32
    %mul3A_7 = arith.muli %arg1, %mul3A_6 : i32
    %mul3A_8 = arith.constant 10240 : i32
    %mul3A_9 = arith.muli %arg0, %mul3A_8 : i32
    %mul3A_10 = arith.constant 640 : i32
    %mul3A_11 = arith.muli %arg1, %mul3A_10 : i32
    %add3A = arith.addi %mul3A_9, %mul3A_11 : i32
    "tpu.region"() ({
      %run_scoped3A = tpu.sem_alloc : memref<!tpu.dma_semaphore, #tpu.memory_space<semaphore_mem>>
      %dma_start3A = arith.constant 0 : i32
      %dma_start3A_12 = tpu.memref_slice %arg6[%add3A, %dma_start3A] : memref<20480x128xf32, #tpu.memory_space<hbm>> -> memref<640x128xf32, #tpu.memory_space<hbm>>
      %dma_start3A_13 = arith.constant 0 : i32
      %dma_start3A_14 = tpu.memref_slice %arg11[%mul3A_7, %dma_start3A_13] : memref<10368x128xf32, #tpu.memory_space<vmem_shared>> -> memref<640x128xf32, #tpu.memory_space<vmem_shared>>
      tpu.enqueue_dma source(%dma_start3A_14 : memref<640x128xf32, #tpu.memory_space<vmem_shared>>) target(%dma_start3A_12 : memref<640x128xf32, #tpu.memory_space<hbm>>) target_semaphore(%run_scoped3A : memref<!tpu.dma_semaphore, #tpu.memory_space<semaphore_mem>>)
      %dma_wait3A = arith.constant 0 : i32
      %dma_wait3A_15 = tpu.memref_slice %arg6[%add3A, %dma_wait3A] : memref<20480x128xf32, #tpu.memory_space<hbm>> -> memref<640x128xf32, #tpu.memory_space<hbm>>
      %dma_wait3A_16 = arith.constant 0 : i32
      %dma_wait3A_17 = tpu.memref_slice %arg11[%mul3A_7, %dma_wait3A_16] : memref<10368x128xf32, #tpu.memory_space<vmem_shared>> -> memref<640x128xf32, #tpu.memory_space<vmem_shared>>
      tpu.wait_dma2 semaphore(%run_scoped3A : memref<!tpu.dma_semaphore, #tpu.memory_space<semaphore_mem>>) src(%dma_wait3A_17 : memref<640x128xf32, #tpu.memory_space<vmem_shared>>) dst(%dma_wait3A_15 : memref<640x128xf32, #tpu.memory_space<hbm>>)
      tpu.yield
    }) : () -> ()
    return
  }
}

#map = affine_map<(d0, d1) -> (0, 0)>
#map1 = affine_map<(d0, d1) -> (0)>
module attributes {stable_mosaic.version = 14 : i64} {
  func.func @agg_kernel(%arg0: i32, %arg1: i32, %arg2: memref<20480x128xf32, #tpu.memory_space<hbm>>, %arg3: memref<327680xi32, #tpu.memory_space<hbm>>, %arg4: memref<1280x128xi32, #tpu.memory_space<hbm>>, %arg5: memref<648x128xf32, #tpu.memory_space<hbm>>, %arg6: memref<20480x128xf32, #tpu.memory_space<hbm>>, %arg7: memref<5120xi32, #tpu.memory_space<vmem>>, %arg8: memref<40x128xi32, #tpu.memory_space<vmem>>, %arg9: memref<128x128xf32, #tpu.memory_space<vmem>>, %arg10: memref<128x128xf32, #tpu.memory_space<vmem>>, %arg11: memref<10368x128xf32, #tpu.memory_space<vmem_shared>>, %arg12: memref<!tpu.dma_semaphore, #tpu.memory_space<semaphore_mem>>, %arg13: memref<!tpu.dma_semaphore, #tpu.memory_space<semaphore_mem>>) attributes {dimension_semantics = [#tpu.dimension_semantics<core_parallel>, #tpu.dimension_semantics<subcore_parallel>], iteration_bounds = array<i64: 2, 16>, scalar_prefetch = 0 : i64, scratch_operands = 7 : i64, tpu.core_type = #tpu.core_type<sc_vector_subcore>, window_params = [{transform_indices = #map}, {transform_indices = #map1}, {transform_indices = #map}, {transform_indices = #map}, {transform_indices = #map}]} {
    %mul3A = arith.constant 648 : i32
    %mul3A_0 = arith.muli %arg1, %mul3A : i32
    "tpu.region"() ({
      %run_scoped3A = tpu.sem_alloc : memref<!tpu.dma_semaphore, #tpu.memory_space<semaphore_mem>>
      %dma_start3A = arith.constant 0 : i32
      %dma_start3A_12 = tpu.memref_slice %arg11[%mul3A_0, %dma_start3A] : memref<10368x128xf32, #tpu.memory_space<vmem_shared>> -> memref<648x128xf32, #tpu.memory_space<vmem_shared>>
      tpu.enqueue_dma source(%arg5 : memref<648x128xf32, #tpu.memory_space<hbm>>) target(%dma_start3A_12 : memref<648x128xf32, #tpu.memory_space<vmem_shared>>) target_semaphore(%run_scoped3A : memref<!tpu.dma_semaphore, #tpu.memory_space<semaphore_mem>>)
      %dma_wait3A = arith.constant 0 : i32
      %dma_wait3A_13 = tpu.memref_slice %arg11[%mul3A_0, %dma_wait3A] : memref<10368x128xf32, #tpu.memory_space<vmem_shared>> -> memref<648x128xf32, #tpu.memory_space<vmem_shared>>
      tpu.wait_dma2 semaphore(%run_scoped3A : memref<!tpu.dma_semaphore, #tpu.memory_space<semaphore_mem>>) src(%arg5 : memref<648x128xf32, #tpu.memory_space<hbm>>) dst(%dma_wait3A_13 : memref<648x128xf32, #tpu.memory_space<vmem_shared>>)
      tpu.yield
    }) : () -> ()
    %barrier3A = arith.constant 0 : index
    tpu.barrier barrier_id(%barrier3A)
    %scan3A = arith.constant 0 : i32
    %scan3A_1 = arith.constant 2 : i32
    %scan3A_2 = arith.addi %scan3A, %scan3A_1 : i32
    %scan3A_3 = arith.constant 1 : i32
    scf.for %scan3A_12 = %scan3A to %scan3A_2 step %scan3A_3  : i32 {
      %mul3A_13 = arith.constant 16 : i32
      %mul3A_14 = arith.muli %arg0, %mul3A_13 : i32
      %add3A_15 = arith.addi %mul3A_14, %arg1 : i32
      %mul3A_16 = arith.constant 80 : i32
      %mul3A_17 = arith.muli %add3A_15, %mul3A_16 : i32
      %mul3A_18 = arith.constant 40 : i32
      %mul3A_19 = arith.muli %scan3A_12, %mul3A_18 : i32
      %add3A_20 = arith.addi %mul3A_17, %mul3A_19 : i32
      %mul3A_21 = arith.constant 128 : i32
      %mul3A_22 = arith.muli %add3A_20, %mul3A_21 : i32
      "tpu.region"() ({
        %run_scoped3A = tpu.sem_alloc : memref<!tpu.dma_semaphore, #tpu.memory_space<semaphore_mem>>
        %dma_start3A_40 = tpu.memref_slice %arg3[%mul3A_22] : memref<327680xi32, #tpu.memory_space<hbm>> -> memref<5120xi32, #tpu.memory_space<hbm>>
        %dma_start3A_41 = tpu.memref_slice %arg3[%mul3A_22] : memref<327680xi32, #tpu.memory_space<hbm>> -> memref<5120xi32, #tpu.memory_space<hbm>>
        tpu.enqueue_dma source(%dma_start3A_41 : memref<5120xi32, #tpu.memory_space<hbm>>) target(%arg7 : memref<5120xi32, #tpu.memory_space<vmem>>) target_semaphore(%run_scoped3A : memref<!tpu.dma_semaphore, #tpu.memory_space<semaphore_mem>>)
        %dma_wait3A = tpu.memref_slice %arg3[%mul3A_22] : memref<327680xi32, #tpu.memory_space<hbm>> -> memref<5120xi32, #tpu.memory_space<hbm>>
        %dma_wait3A_42 = tpu.memref_slice %arg3[%mul3A_22] : memref<327680xi32, #tpu.memory_space<hbm>> -> memref<5120xi32, #tpu.memory_space<hbm>>
        tpu.wait_dma2 semaphore(%run_scoped3A : memref<!tpu.dma_semaphore, #tpu.memory_space<semaphore_mem>>) src(%dma_wait3A_42 : memref<5120xi32, #tpu.memory_space<hbm>>) dst(%arg7 : memref<5120xi32, #tpu.memory_space<vmem>>)
        tpu.yield
      }) : () -> ()
      %mul3A_23 = arith.constant 80 : i32
      %mul3A_24 = arith.muli %arg1, %mul3A_23 : i32
      %mul3A_25 = arith.constant 40 : i32
      %mul3A_26 = arith.muli %scan3A_12, %mul3A_25 : i32
      %add3A_27 = arith.addi %mul3A_24, %mul3A_26 : i32
      "tpu.region"() ({
        %run_scoped3A = tpu.sem_alloc : memref<!tpu.dma_semaphore, #tpu.memory_space<semaphore_mem>>
        %dma_start3A_40 = arith.constant 0 : i32
        %dma_start3A_41 = tpu.memref_slice %arg4[%add3A_27, %dma_start3A_40] : memref<1280x128xi32, #tpu.memory_space<hbm>> -> memref<40x128xi32, #tpu.memory_space<hbm>>
        %dma_start3A_42 = arith.constant 0 : i32
        %dma_start3A_43 = tpu.memref_slice %arg4[%add3A_27, %dma_start3A_42] : memref<1280x128xi32, #tpu.memory_space<hbm>> -> memref<40x128xi32, #tpu.memory_space<hbm>>
        tpu.enqueue_dma source(%dma_start3A_43 : memref<40x128xi32, #tpu.memory_space<hbm>>) target(%arg8 : memref<40x128xi32, #tpu.memory_space<vmem>>) target_semaphore(%run_scoped3A : memref<!tpu.dma_semaphore, #tpu.memory_space<semaphore_mem>>)
        %dma_wait3A = arith.constant 0 : i32
        %dma_wait3A_44 = tpu.memref_slice %arg4[%add3A_27, %dma_wait3A] : memref<1280x128xi32, #tpu.memory_space<hbm>> -> memref<40x128xi32, #tpu.memory_space<hbm>>
        %dma_wait3A_45 = arith.constant 0 : i32
        %dma_wait3A_46 = tpu.memref_slice %arg4[%add3A_27, %dma_wait3A_45] : memref<1280x128xi32, #tpu.memory_space<hbm>> -> memref<40x128xi32, #tpu.memory_space<hbm>>
        tpu.wait_dma2 semaphore(%run_scoped3A : memref<!tpu.dma_semaphore, #tpu.memory_space<semaphore_mem>>) src(%dma_wait3A_46 : memref<40x128xi32, #tpu.memory_space<hbm>>) dst(%arg8 : memref<40x128xi32, #tpu.memory_space<vmem>>)
        tpu.yield
      }) : () -> ()
      %dma_start3A = arith.constant 0 : i32
      %dma_start3A_28 = arith.constant 0 : i32
      %dma_start3A_29 = tpu.memref_slice %arg9[%dma_start3A, %dma_start3A_28] : memref<128x128xf32, #tpu.memory_space<vmem>> -> memref<128x128xf32, #tpu.memory_space<vmem>>
      %dma_start3A_30 = arith.constant 0 : i32
      %dma_start3A_31 = tpu.memref_slice %arg7[%dma_start3A_30] : memref<5120xi32, #tpu.memory_space<vmem>> -> memref<128xi32, #tpu.memory_space<vmem>>
      %dma_start3A_32 = arith.constant 0 : i32
      %dma_start3A_33 = arith.constant 0 : i32
      %dma_start3A_34 = tpu.memref_slice %arg2[%dma_start3A_32, %dma_start3A_33] : memref<20480x128xf32, #tpu.memory_space<hbm>> -> memref<20480x128xf32, #tpu.memory_space<hbm>>
      tpu.enqueue_indirect_dma source(%dma_start3A_34 : memref<20480x128xf32, #tpu.memory_space<hbm>>) target(%dma_start3A_29 : memref<128x128xf32, #tpu.memory_space<vmem>>) offsets(%dma_start3A_31 : memref<128xi32, #tpu.memory_space<vmem>>) semaphore(%arg12 : memref<!tpu.dma_semaphore, #tpu.memory_space<semaphore_mem>>)
      %scan3A_35 = arith.constant 0 : i32
      %scan3A_36 = arith.constant 20 : i32
      %scan3A_37 = arith.addi %scan3A_35, %scan3A_36 : i32
      %scan3A_38 = arith.constant 1 : i32
      scf.for %scan3A_40 = %scan3A_35 to %scan3A_37 step %scan3A_38  : i32 {
        %mul3A_41 = arith.constant 2 : i32
        %mul3A_42 = arith.muli %mul3A_41, %scan3A_40 : i32
        %add3A_43 = arith.constant 1 : i32
        %add3A_44 = arith.addi %mul3A_42, %add3A_43 : i32
        %mul3A_45 = arith.constant 128 : i32
        %mul3A_46 = arith.muli %add3A_44, %mul3A_45 : i32
        %add3A_47 = arith.constant 0 : i32
        %add3A_48 = arith.addi %mul3A_46, %add3A_47 : i32
        %dma_start3A_49 = arith.constant 0 : i32
        %dma_start3A_50 = arith.constant 0 : i32
        %dma_start3A_51 = tpu.memref_slice %arg10[%dma_start3A_49, %dma_start3A_50] : memref<128x128xf32, #tpu.memory_space<vmem>> -> memref<128x128xf32, #tpu.memory_space<vmem>>
        %dma_start3A_52 = tpu.memref_slice %arg7[%add3A_48] : memref<5120xi32, #tpu.memory_space<vmem>> -> memref<128xi32, #tpu.memory_space<vmem>>
        %dma_start3A_53 = arith.constant 0 : i32
        %dma_start3A_54 = arith.constant 0 : i32
        %dma_start3A_55 = tpu.memref_slice %arg2[%dma_start3A_53, %dma_start3A_54] : memref<20480x128xf32, #tpu.memory_space<hbm>> -> memref<20480x128xf32, #tpu.memory_space<hbm>>
        tpu.enqueue_indirect_dma source(%dma_start3A_55 : memref<20480x128xf32, #tpu.memory_space<hbm>>) target(%dma_start3A_51 : memref<128x128xf32, #tpu.memory_space<vmem>>) offsets(%dma_start3A_52 : memref<128xi32, #tpu.memory_space<vmem>>) semaphore(%arg13 : memref<!tpu.dma_semaphore, #tpu.memory_space<semaphore_mem>>)
        %mul3A_56 = arith.constant 128 : i32
        %mul3A_57 = arith.muli %mul3A_42, %mul3A_56 : i32
        %add3A_58 = arith.constant 0 : i32
        %add3A_59 = arith.addi %mul3A_57, %add3A_58 : i32
        %dma_wait3A = arith.constant 0 : i32
        %dma_wait3A_60 = arith.constant 0 : i32
        %dma_wait3A_61 = tpu.memref_slice %arg9[%dma_wait3A, %dma_wait3A_60] : memref<128x128xf32, #tpu.memory_space<vmem>> -> memref<128x128xf32, #tpu.memory_space<vmem>>
        %dma_wait3A_62 = tpu.memref_slice %arg7[%add3A_59] : memref<5120xi32, #tpu.memory_space<vmem>> -> memref<128xi32, #tpu.memory_space<vmem>>
        %dma_wait3A_63 = arith.constant 0 : i32
        %dma_wait3A_64 = arith.constant 0 : i32
        %dma_wait3A_65 = tpu.memref_slice %arg2[%dma_wait3A_63, %dma_wait3A_64] : memref<20480x128xf32, #tpu.memory_space<hbm>> -> memref<20480x128xf32, #tpu.memory_space<hbm>>
        tpu.wait_indirect_dma semaphore(%arg12 : memref<!tpu.dma_semaphore, #tpu.memory_space<semaphore_mem>>) src(%dma_wait3A_65 : memref<20480x128xf32, #tpu.memory_space<hbm>>) dst(%dma_wait3A_61 : memref<128x128xf32, #tpu.memory_space<vmem>>)
        "tpu.region"() ({
          %run_scoped3A = tpu.sem_alloc : memref<!tpu.dma_semaphore, #tpu.memory_space<semaphore_mem>>
          %dma_start3A_85 = arith.constant 0 : i32
          %dma_start3A_86 = tpu.memref_slice %arg8[%mul3A_42, %dma_start3A_85] : memref<40x128xi32, #tpu.memory_space<vmem>> -> memref<1x128xi32, #tpu.memory_space<vmem>>
          %dma_start3A_87 = tpu.memref_squeeze %dma_start3A_86 : memref<1x128xi32, #tpu.memory_space<vmem>> -> memref<128xi32, #tpu.memory_space<vmem>>
          %dma_start3A_88 = arith.constant 0 : i32
          %dma_start3A_89 = arith.constant 0 : i32
          %dma_start3A_90 = tpu.memref_slice %arg11[%dma_start3A_88, %dma_start3A_89] : memref<10368x128xf32, #tpu.memory_space<vmem_shared>> -> memref<10368x128xf32, #tpu.memory_space<vmem_shared>>
          tpu.enqueue_indirect_dma source(%arg9 : memref<128x128xf32, #tpu.memory_space<vmem>>) target(%dma_start3A_90 : memref<10368x128xf32, #tpu.memory_space<vmem_shared>>) offsets(%dma_start3A_87 : memref<128xi32, #tpu.memory_space<vmem>>) semaphore(%run_scoped3A : memref<!tpu.dma_semaphore, #tpu.memory_space<semaphore_mem>>) {add = true}
          %dma_wait3A_91 = arith.constant 0 : i32
          %dma_wait3A_92 = tpu.memref_slice %arg8[%mul3A_42, %dma_wait3A_91] : memref<40x128xi32, #tpu.memory_space<vmem>> -> memref<1x128xi32, #tpu.memory_space<vmem>>
          %dma_wait3A_93 = tpu.memref_squeeze %dma_wait3A_92 : memref<1x128xi32, #tpu.memory_space<vmem>> -> memref<128xi32, #tpu.memory_space<vmem>>
          %dma_wait3A_94 = arith.constant 0 : i32
          %dma_wait3A_95 = arith.constant 0 : i32
          %dma_wait3A_96 = tpu.memref_slice %arg11[%dma_wait3A_94, %dma_wait3A_95] : memref<10368x128xf32, #tpu.memory_space<vmem_shared>> -> memref<10368x128xf32, #tpu.memory_space<vmem_shared>>
          tpu.wait_indirect_dma semaphore(%run_scoped3A : memref<!tpu.dma_semaphore, #tpu.memory_space<semaphore_mem>>) src(%arg9 : memref<128x128xf32, #tpu.memory_space<vmem>>) dst(%dma_wait3A_96 : memref<10368x128xf32, #tpu.memory_space<vmem_shared>>)
          tpu.yield
        }) : () -> ()
        %add3A_66 = arith.constant 2 : i32
        %add3A_67 = arith.addi %mul3A_42, %add3A_66 : i32
        %lt3A = arith.constant 40 : i32
        %lt3A_68 = arith.cmpi slt, %add3A_67, %lt3A : i32
        %convert_element_type3A = arith.extui %lt3A_68 : i1 to i32
        %cond3A = arith.constant 0 : i32
        %cond3A_69 = arith.cmpi ne, %convert_element_type3A, %cond3A : i32
        scf.if %cond3A_69 {
          %add3A_85 = arith.constant 2 : i32
          %add3A_86 = arith.addi %mul3A_42, %add3A_85 : i32
          %mul3A_87 = arith.constant 128 : i32
          %mul3A_88 = arith.muli %add3A_86, %mul3A_87 : i32
          %add3A_89 = arith.constant 0 : i32
          %add3A_90 = arith.addi %mul3A_88, %add3A_89 : i32
          %dma_start3A_91 = arith.constant 0 : i32
          %dma_start3A_92 = arith.constant 0 : i32
          %dma_start3A_93 = tpu.memref_slice %arg9[%dma_start3A_91, %dma_start3A_92] : memref<128x128xf32, #tpu.memory_space<vmem>> -> memref<128x128xf32, #tpu.memory_space<vmem>>
          %dma_start3A_94 = tpu.memref_slice %arg7[%add3A_90] : memref<5120xi32, #tpu.memory_space<vmem>> -> memref<128xi32, #tpu.memory_space<vmem>>
          %dma_start3A_95 = arith.constant 0 : i32
          %dma_start3A_96 = arith.constant 0 : i32
          %dma_start3A_97 = tpu.memref_slice %arg2[%dma_start3A_95, %dma_start3A_96] : memref<20480x128xf32, #tpu.memory_space<hbm>> -> memref<20480x128xf32, #tpu.memory_space<hbm>>
          tpu.enqueue_indirect_dma source(%dma_start3A_97 : memref<20480x128xf32, #tpu.memory_space<hbm>>) target(%dma_start3A_93 : memref<128x128xf32, #tpu.memory_space<vmem>>) offsets(%dma_start3A_94 : memref<128xi32, #tpu.memory_space<vmem>>) semaphore(%arg12 : memref<!tpu.dma_semaphore, #tpu.memory_space<semaphore_mem>>)
        } else {
        }
        %add3A_70 = arith.constant 1 : i32
        %add3A_71 = arith.addi %mul3A_42, %add3A_70 : i32
        %mul3A_72 = arith.constant 128 : i32
        %mul3A_73 = arith.muli %add3A_71, %mul3A_72 : i32
        %add3A_74 = arith.constant 0 : i32
        %add3A_75 = arith.addi %mul3A_73, %add3A_74 : i32
        %dma_wait3A_76 = arith.constant 0 : i32
        %dma_wait3A_77 = arith.constant 0 : i32
        %dma_wait3A_78 = tpu.memref_slice %arg10[%dma_wait3A_76, %dma_wait3A_77] : memref<128x128xf32, #tpu.memory_space<vmem>> -> memref<128x128xf32, #tpu.memory_space<vmem>>
        %dma_wait3A_79 = tpu.memref_slice %arg7[%add3A_75] : memref<5120xi32, #tpu.memory_space<vmem>> -> memref<128xi32, #tpu.memory_space<vmem>>
        %dma_wait3A_80 = arith.constant 0 : i32
        %dma_wait3A_81 = arith.constant 0 : i32
        %dma_wait3A_82 = tpu.memref_slice %arg2[%dma_wait3A_80, %dma_wait3A_81] : memref<20480x128xf32, #tpu.memory_space<hbm>> -> memref<20480x128xf32, #tpu.memory_space<hbm>>
        tpu.wait_indirect_dma semaphore(%arg13 : memref<!tpu.dma_semaphore, #tpu.memory_space<semaphore_mem>>) src(%dma_wait3A_82 : memref<20480x128xf32, #tpu.memory_space<hbm>>) dst(%dma_wait3A_78 : memref<128x128xf32, #tpu.memory_space<vmem>>)
        %add3A_83 = arith.constant 1 : i32
        %add3A_84 = arith.addi %mul3A_42, %add3A_83 : i32
        "tpu.region"() ({
          %run_scoped3A = tpu.sem_alloc : memref<!tpu.dma_semaphore, #tpu.memory_space<semaphore_mem>>
          %dma_start3A_85 = arith.constant 0 : i32
          %dma_start3A_86 = tpu.memref_slice %arg8[%add3A_84, %dma_start3A_85] : memref<40x128xi32, #tpu.memory_space<vmem>> -> memref<1x128xi32, #tpu.memory_space<vmem>>
          %dma_start3A_87 = tpu.memref_squeeze %dma_start3A_86 : memref<1x128xi32, #tpu.memory_space<vmem>> -> memref<128xi32, #tpu.memory_space<vmem>>
          %dma_start3A_88 = arith.constant 0 : i32
          %dma_start3A_89 = arith.constant 0 : i32
          %dma_start3A_90 = tpu.memref_slice %arg11[%dma_start3A_88, %dma_start3A_89] : memref<10368x128xf32, #tpu.memory_space<vmem_shared>> -> memref<10368x128xf32, #tpu.memory_space<vmem_shared>>
          tpu.enqueue_indirect_dma source(%arg10 : memref<128x128xf32, #tpu.memory_space<vmem>>) target(%dma_start3A_90 : memref<10368x128xf32, #tpu.memory_space<vmem_shared>>) offsets(%dma_start3A_87 : memref<128xi32, #tpu.memory_space<vmem>>) semaphore(%run_scoped3A : memref<!tpu.dma_semaphore, #tpu.memory_space<semaphore_mem>>) {add = true}
          %dma_wait3A_91 = arith.constant 0 : i32
          %dma_wait3A_92 = tpu.memref_slice %arg8[%add3A_84, %dma_wait3A_91] : memref<40x128xi32, #tpu.memory_space<vmem>> -> memref<1x128xi32, #tpu.memory_space<vmem>>
          %dma_wait3A_93 = tpu.memref_squeeze %dma_wait3A_92 : memref<1x128xi32, #tpu.memory_space<vmem>> -> memref<128xi32, #tpu.memory_space<vmem>>
          %dma_wait3A_94 = arith.constant 0 : i32
          %dma_wait3A_95 = arith.constant 0 : i32
          %dma_wait3A_96 = tpu.memref_slice %arg11[%dma_wait3A_94, %dma_wait3A_95] : memref<10368x128xf32, #tpu.memory_space<vmem_shared>> -> memref<10368x128xf32, #tpu.memory_space<vmem_shared>>
          tpu.wait_indirect_dma semaphore(%run_scoped3A : memref<!tpu.dma_semaphore, #tpu.memory_space<semaphore_mem>>) src(%arg10 : memref<128x128xf32, #tpu.memory_space<vmem>>) dst(%dma_wait3A_96 : memref<10368x128xf32, #tpu.memory_space<vmem_shared>>)
          tpu.yield
        }) : () -> ()
      }
      %scan3A_39 = arith.constant 20 : i32
    }
    %scan3A_4 = arith.constant 2 : i32
    %barrier3A_5 = arith.constant 0 : index
    tpu.barrier barrier_id(%barrier3A_5)
    %mul3A_6 = arith.constant 640 : i32
    %mul3A_7 = arith.muli %arg1, %mul3A_6 : i32
    %mul3A_8 = arith.constant 10240 : i32
    %mul3A_9 = arith.muli %arg0, %mul3A_8 : i32
    %mul3A_10 = arith.constant 640 : i32
    %mul3A_11 = arith.muli %arg1, %mul3A_10 : i32
    %add3A = arith.addi %mul3A_9, %mul3A_11 : i32
    "tpu.region"() ({
      %run_scoped3A = tpu.sem_alloc : memref<!tpu.dma_semaphore, #tpu.memory_space<semaphore_mem>>
      %dma_start3A = arith.constant 0 : i32
      %dma_start3A_12 = tpu.memref_slice %arg6[%add3A, %dma_start3A] : memref<20480x128xf32, #tpu.memory_space<hbm>> -> memref<640x128xf32, #tpu.memory_space<hbm>>
      %dma_start3A_13 = arith.constant 0 : i32
      %dma_start3A_14 = tpu.memref_slice %arg11[%mul3A_7, %dma_start3A_13] : memref<10368x128xf32, #tpu.memory_space<vmem_shared>> -> memref<640x128xf32, #tpu.memory_space<vmem_shared>>
      tpu.enqueue_dma source(%dma_start3A_14 : memref<640x128xf32, #tpu.memory_space<vmem_shared>>) target(%dma_start3A_12 : memref<640x128xf32, #tpu.memory_space<hbm>>) target_semaphore(%run_scoped3A : memref<!tpu.dma_semaphore, #tpu.memory_space<semaphore_mem>>)
      %dma_wait3A = arith.constant 0 : i32
      %dma_wait3A_15 = tpu.memref_slice %arg6[%add3A, %dma_wait3A] : memref<20480x128xf32, #tpu.memory_space<hbm>> -> memref<640x128xf32, #tpu.memory_space<hbm>>
      %dma_wait3A_16 = arith.constant 0 : i32
      %dma_wait3A_17 = tpu.memref_slice %arg11[%mul3A_7, %dma_wait3A_16] : memref<10368x128xf32, #tpu.memory_space<vmem_shared>> -> memref<640x128xf32, #tpu.memory_space<vmem_shared>>
      tpu.wait_dma2 semaphore(%run_scoped3A : memref<!tpu.dma_semaphore, #tpu.memory_space<semaphore_mem>>) src(%dma_wait3A_17 : memref<640x128xf32, #tpu.memory_space<vmem_shared>>) dst(%dma_wait3A_15 : memref<640x128xf32, #tpu.memory_space<hbm>>)
      tpu.yield
    }) : () -> ()
    return
  }
}

module attributes {stable_mosaic.version = 14 : i64} {
  func.func @_mm_body(%arg0: i32, %arg1: memref<10240x256xf32, #tpu.memory_space<vmem>>, %arg2: memref<256x256xf32, #tpu.memory_space<vmem>>, %arg3: memref<2x10240x128xf32, #tpu.memory_space<vmem>>) attributes {dimension_semantics = [#tpu.dimension_semantics<arbitrary>], iteration_bounds = array<i64: 1>, scalar_prefetch = 0 : i64, scratch_operands = 0 : i64, tpu.core_type = #tpu.core_type<tc>, window_params = [{transform_indices = @transform_0, window_bounds = array<i64: 10240, 256>}, {pipeline_mode = #tpu.pipeline_mode<synchronous>, transform_indices = @transform_1, window_bounds = array<i64: 256, 256>}, {transform_indices = @transform_2, window_bounds = array<i64: 2, 10240, 128>}]} {
    %get3A = arith.constant 0 : index
    %get3A_0 = arith.constant 0 : index
    %get3A_1 = vector.load %arg1[%get3A, %get3A_0] : memref<10240x256xf32, #tpu.memory_space<vmem>>, vector<10240x256xf32>
    %get3A_2 = arith.constant 0 : index
    %get3A_3 = arith.constant 0 : index
    %get3A_4 = vector.load %arg2[%get3A_2, %get3A_3] : memref<256x256xf32, #tpu.memory_space<vmem>>, vector<256x256xf32>
    %dot_general3A = arith.constant dense<0.000000e+00> : vector<10240x256xf32>
    %dot_general3A_5 = tpu.matmul %get3A_1, %get3A_4, %dot_general3A {dimension_numbers = #tpu.dot_dimension_numbers<[1], [0], [0], [1], [0, 0, 1, 1], [], []>, transpose_lhs_hint = false} : vector<10240x256xf32>, vector<256x256xf32>, vector<10240x256xf32> -> vector<10240x256xf32>
    %slice3A = vector.extract_strided_slice %dot_general3A_5 {offsets = [0, 0], sizes = [10240, 128], strides = [1, 1]} : vector<10240x256xf32> to vector<10240x128xf32>
    %swap3A = arith.constant 0 : index
    %swap3A_6 = arith.constant 0 : index
    %swap3A_7 = arith.constant 0 : index
    %swap3A_8 = vector.load %arg3[%swap3A, %swap3A_6, %swap3A_7] : memref<2x10240x128xf32, #tpu.memory_space<vmem>>, vector<1x10240x128xf32>
    %swap3A_9 = vector.shape_cast %swap3A_8 : vector<1x10240x128xf32> to vector<10240x128xf32>
    %swap3A_10 = vector.shape_cast %slice3A : vector<10240x128xf32> to vector<1x10240x128xf32>
    tpu.vector_store %arg3[%swap3A, %swap3A_6, %swap3A_7], %swap3A_10 {strides = array<i32>} : memref<2x10240x128xf32, #tpu.memory_space<vmem>>, vector<1x10240x128xf32>,
    %slice3A_11 = vector.extract_strided_slice %dot_general3A_5 {offsets = [0, 128], sizes = [10240, 128], strides = [1, 1]} : vector<10240x256xf32> to vector<10240x128xf32>
    %swap3A_12 = arith.constant 1 : index
    %swap3A_13 = arith.constant 0 : index
    %swap3A_14 = arith.constant 0 : index
    %swap3A_15 = vector.load %arg3[%swap3A_12, %swap3A_13, %swap3A_14] : memref<2x10240x128xf32, #tpu.memory_space<vmem>>, vector<1x10240x128xf32>
    %swap3A_16 = vector.shape_cast %swap3A_15 : vector<1x10240x128xf32> to vector<10240x128xf32>
    %swap3A_17 = vector.shape_cast %slice3A_11 : vector<10240x128xf32> to vector<1x10240x128xf32>
    tpu.vector_store %arg3[%swap3A_12, %swap3A_13, %swap3A_14], %swap3A_17 {strides = array<i32>} : memref<2x10240x128xf32, #tpu.memory_space<vmem>>, vector<1x10240x128xf32>,
    return
  }
  func.func @transform_0(%arg0: i32) -> (i32, i32) {
    %c0_i32 = arith.constant 0 : i32
    %c0_i32_0 = arith.constant 0 : i32
    return %arg0, %c0_i32 : i32, i32
  }
  func.func @transform_1(%arg0: i32) -> (i32, i32) {
    %c0_i32 = arith.constant 0 : i32
    %c0_i32_0 = arith.constant 0 : i32
    %c0_i32_1 = arith.constant 0 : i32
    return %c0_i32, %c0_i32_0 : i32, i32
  }
  func.func @transform_2(%arg0: i32) -> (i32, i32, i32) {
    %c0_i32 = arith.constant 0 : i32
    %c0_i32_0 = arith.constant 0 : i32
    %c0_i32_1 = arith.constant 0 : i32
    return %c0_i32, %arg0, %c0_i32_0 : i32, i32, i32
  }
}

module attributes {stable_mosaic.version = 14 : i64} {
  func.func @_scale_body(%arg0: i32, %arg1: memref<10240xf32, #tpu.memory_space<vmem>>, %arg2: memref<2x10240x128xf32, #tpu.memory_space<vmem>>, %arg3: memref<2x10240x128xf32, #tpu.memory_space<vmem>>) attributes {dimension_semantics = [#tpu.dimension_semantics<arbitrary>], iteration_bounds = array<i64: 1>, scalar_prefetch = 0 : i64, scratch_operands = 0 : i64, tpu.core_type = #tpu.core_type<tc>, window_params = [{transform_indices = @transform_0, window_bounds = array<i64: 10240>}, {transform_indices = @transform_1, window_bounds = array<i64: 2, 10240, 128>}, {transform_indices = @transform_2, window_bounds = array<i64: 2, 10240, 128>}]} {
    %get3A = arith.constant 0 : index
    %get3A_0 = vector.load %arg1[%get3A] : memref<10240xf32, #tpu.memory_space<vmem>>, vector<10240xf32>
    %jit3A = arith.constant 1.000000e+00 : f32
    %max3A = vector.broadcast %jit3A : f32 to vector<10240xf32>
    %max3A_1 = arith.maximumf %max3A, %get3A_0 : vector<10240xf32>
    %rsqrt3A = math.rsqrt %max3A_1 : vector<10240xf32>
    %get3A_2 = arith.constant 0 : index
    %get3A_3 = arith.constant 0 : index
    %get3A_4 = arith.constant 0 : index
    %get3A_5 = vector.load %arg2[%get3A_2, %get3A_3, %get3A_4] : memref<2x10240x128xf32, #tpu.memory_space<vmem>>, vector<2x10240x128xf32>
    %broadcast_in_dim3A = vector.shape_cast %rsqrt3A : vector<10240xf32> to vector<1x10240x1xf32>
    %mul3A = vector.broadcast %broadcast_in_dim3A : vector<1x10240x1xf32> to vector<2x10240x128xf32>
    %mul3A_6 = arith.mulf %get3A_5, %mul3A : vector<2x10240x128xf32>
    %swap3A = arith.constant 0 : index
    %swap3A_7 = arith.constant 0 : index
    %swap3A_8 = arith.constant 0 : index
    %swap3A_9 = vector.load %arg3[%swap3A, %swap3A_7, %swap3A_8] : memref<2x10240x128xf32, #tpu.memory_space<vmem>>, vector<2x10240x128xf32>
    tpu.vector_store %arg3[%swap3A, %swap3A_7, %swap3A_8], %mul3A_6 {strides = array<i32>} : memref<2x10240x128xf32, #tpu.memory_space<vmem>>, vector<2x10240x128xf32>,
    return
  }
  func.func @transform_0(%arg0: i32) -> i32 {
    %c0_i32 = arith.constant 0 : i32
    return %arg0 : i32
  }
  func.func @transform_1(%arg0: i32) -> (i32, i32, i32) {
    %c0_i32 = arith.constant 0 : i32
    %c0_i32_0 = arith.constant 0 : i32
    %c0_i32_1 = arith.constant 0 : i32
    return %c0_i32, %arg0, %c0_i32_0 : i32, i32, i32
  }
  func.func @transform_2(%arg0: i32) -> (i32, i32, i32) {
    %c0_i32 = arith.constant 0 : i32
    %c0_i32_0 = arith.constant 0 : i32
    %c0_i32_1 = arith.constant 0 : i32
    return %c0_i32, %arg0, %c0_i32_0 : i32, i32, i32
  }
}

module attributes {stable_mosaic.version = 14 : i64} {
  func.func @_mid_body(%arg0: i32, %arg1: memref<10240xf32, #tpu.memory_space<vmem>>, %arg2: memref<10240xf32, #tpu.memory_space<vmem>>, %arg3: memref<2x10240x128xf32, #tpu.memory_space<vmem>>, %arg4: memref<256xf32, #tpu.memory_space<vmem>>, %arg5: memref<256x256xf32, #tpu.memory_space<vmem>>, %arg6: memref<2x10240x128xf32, #tpu.memory_space<vmem>>) attributes {dimension_semantics = [#tpu.dimension_semantics<arbitrary>], iteration_bounds = array<i64: 1>, scalar_prefetch = 0 : i64, scratch_operands = 0 : i64, tpu.core_type = #tpu.core_type<tc>, window_params = [{transform_indices = @transform_0, window_bounds = array<i64: 10240>}, {transform_indices = @transform_1, window_bounds = array<i64: 10240>}, {transform_indices = @transform_2, window_bounds = array<i64: 2, 10240, 128>}, {pipeline_mode = #tpu.pipeline_mode<synchronous>, transform_indices = @transform_3, window_bounds = array<i64: 256>}, {pipeline_mode = #tpu.pipeline_mode<synchronous>, transform_indices = @transform_4, window_bounds = array<i64: 256, 256>}, {transform_indices = @transform_5, window_bounds = array<i64: 2, 10240, 128>}]} {
    %get3A = arith.constant 0 : index
    %get3A_0 = vector.load %arg1[%get3A] : memref<10240xf32, #tpu.memory_space<vmem>>, vector<10240xf32>
    %jit3A = arith.constant 1.000000e+00 : f32
    %max3A = vector.broadcast %jit3A : f32 to vector<10240xf32>
    %max3A_1 = arith.maximumf %max3A, %get3A_0 : vector<10240xf32>
    %rsqrt3A = math.rsqrt %max3A_1 : vector<10240xf32>
    %get3A_2 = arith.constant 0 : index
    %get3A_3 = arith.constant 0 : index
    %get3A_4 = arith.constant 0 : index
    %get3A_5 = vector.load %arg3[%get3A_2, %get3A_3, %get3A_4] : memref<2x10240x128xf32, #tpu.memory_space<vmem>>, vector<1x10240x128xf32>
    %get3A_6 = vector.shape_cast %get3A_5 : vector<1x10240x128xf32> to vector<10240x128xf32>
    %get3A_7 = arith.constant 1 : index
    %get3A_8 = arith.constant 0 : index
    %get3A_9 = arith.constant 0 : index
    %get3A_10 = vector.load %arg3[%get3A_7, %get3A_8, %get3A_9] : memref<2x10240x128xf32, #tpu.memory_space<vmem>>, vector<1x10240x128xf32>
    %get3A_11 = vector.shape_cast %get3A_10 : vector<1x10240x128xf32> to vector<10240x128xf32>
    %concatenate3A = tpu.concatenate %get3A_6, %get3A_11 in 1 : vector<10240x128xf32>, vector<10240x128xf32> -> vector<10240x256xf32>
    %broadcast_in_dim3A = vector.shape_cast %rsqrt3A : vector<10240xf32> to vector<10240x1xf32>
    %mul3A = vector.broadcast %broadcast_in_dim3A : vector<10240x1xf32> to vector<10240x256xf32>
    %mul3A_12 = arith.mulf %concatenate3A, %mul3A : vector<10240x256xf32>
    %get3A_13 = arith.constant 0 : index
    %get3A_14 = vector.load %arg4[%get3A_13] : memref<256xf32, #tpu.memory_space<vmem>>, vector<256xf32>
    %broadcast_in_dim3A_15 = vector.shape_cast %get3A_14 : vector<256xf32> to vector<1x256xf32>
    %add3A = vector.broadcast %broadcast_in_dim3A_15 : vector<1x256xf32> to vector<10240x256xf32>
    %add3A_16 = arith.addf %mul3A_12, %add3A : vector<10240x256xf32>
    %max3A_17 = arith.constant 0.000000e+00 : f32
    %max3A_18 = vector.broadcast %max3A_17 : f32 to vector<10240x256xf32>
    %max3A_19 = arith.maximumf %add3A_16, %max3A_18 : vector<10240x256xf32>
    %get3A_20 = arith.constant 0 : index
    %get3A_21 = vector.load %arg2[%get3A_20] : memref<10240xf32, #tpu.memory_space<vmem>>, vector<10240xf32>
    %jit3A_22 = arith.constant 1.000000e+00 : f32
    %max3A_23 = vector.broadcast %jit3A_22 : f32 to vector<10240xf32>
    %max3A_24 = arith.maximumf %max3A_23, %get3A_21 : vector<10240xf32>
    %rsqrt3A_25 = math.rsqrt %max3A_24 : vector<10240xf32>
    %broadcast_in_dim3A_26 = vector.shape_cast %rsqrt3A_25 : vector<10240xf32> to vector<10240x1xf32>
    %mul3A_27 = vector.broadcast %broadcast_in_dim3A_26 : vector<10240x1xf32> to vector<10240x256xf32>
    %mul3A_28 = arith.mulf %max3A_19, %mul3A_27 : vector<10240x256xf32>
    %get3A_29 = arith.constant 0 : index
    %get3A_30 = arith.constant 0 : index
    %get3A_31 = vector.load %arg5[%get3A_29, %get3A_30] : memref<256x256xf32, #tpu.memory_space<vmem>>, vector<256x256xf32>
    %dot_general3A = arith.constant dense<0.000000e+00> : vector<10240x256xf32>
    %dot_general3A_32 = tpu.matmul %mul3A_28, %get3A_31, %dot_general3A {dimension_numbers = #tpu.dot_dimension_numbers<[1], [0], [0], [1], [0, 0, 1, 1], [], []>, transpose_lhs_hint = false} : vector<10240x256xf32>, vector<256x256xf32>, vector<10240x256xf32> -> vector<10240x256xf32>
    %slice3A = vector.extract_strided_slice %dot_general3A_32 {offsets = [0, 0], sizes = [10240, 128], strides = [1, 1]} : vector<10240x256xf32> to vector<10240x128xf32>
    %swap3A = arith.constant 0 : index
    %swap3A_33 = arith.constant 0 : index
    %swap3A_34 = arith.constant 0 : index
    %swap3A_35 = vector.load %arg6[%swap3A, %swap3A_33, %swap3A_34] : memref<2x10240x128xf32, #tpu.memory_space<vmem>>, vector<1x10240x128xf32>
    %swap3A_36 = vector.shape_cast %swap3A_35 : vector<1x10240x128xf32> to vector<10240x128xf32>
    %swap3A_37 = vector.shape_cast %slice3A : vector<10240x128xf32> to vector<1x10240x128xf32>
    tpu.vector_store %arg6[%swap3A, %swap3A_33, %swap3A_34], %swap3A_37 {strides = array<i32>} : memref<2x10240x128xf32, #tpu.memory_space<vmem>>, vector<1x10240x128xf32>,
    %slice3A_38 = vector.extract_strided_slice %dot_general3A_32 {offsets = [0, 128], sizes = [10240, 128], strides = [1, 1]} : vector<10240x256xf32> to vector<10240x128xf32>
    %swap3A_39 = arith.constant 1 : index
    %swap3A_40 = arith.constant 0 : index
    %swap3A_41 = arith.constant 0 : index
    %swap3A_42 = vector.load %arg6[%swap3A_39, %swap3A_40, %swap3A_41] : memref<2x10240x128xf32, #tpu.memory_space<vmem>>, vector<1x10240x128xf32>
    %swap3A_43 = vector.shape_cast %swap3A_42 : vector<1x10240x128xf32> to vector<10240x128xf32>
    %swap3A_44 = vector.shape_cast %slice3A_38 : vector<10240x128xf32> to vector<1x10240x128xf32>
    tpu.vector_store %arg6[%swap3A_39, %swap3A_40, %swap3A_41], %swap3A_44 {strides = array<i32>} : memref<2x10240x128xf32, #tpu.memory_space<vmem>>, vector<1x10240x128xf32>,
    return
  }
  func.func @transform_0(%arg0: i32) -> i32 {
    %c0_i32 = arith.constant 0 : i32
    return %arg0 : i32
  }
  func.func @transform_1(%arg0: i32) -> i32 {
    %c0_i32 = arith.constant 0 : i32
    return %arg0 : i32
  }
  func.func @transform_2(%arg0: i32) -> (i32, i32, i32) {
    %c0_i32 = arith.constant 0 : i32
    %c0_i32_0 = arith.constant 0 : i32
    %c0_i32_1 = arith.constant 0 : i32
    return %c0_i32, %arg0, %c0_i32_0 : i32, i32, i32
  }
  func.func @transform_3(%arg0: i32) -> i32 {
    %c0_i32 = arith.constant 0 : i32
    %c0_i32_0 = arith.constant 0 : i32
    return %c0_i32 : i32
  }
  func.func @transform_4(%arg0: i32) -> (i32, i32) {
    %c0_i32 = arith.constant 0 : i32
    %c0_i32_0 = arith.constant 0 : i32
    %c0_i32_1 = arith.constant 0 : i32
    return %c0_i32, %c0_i32_0 : i32, i32
  }
  func.func @transform_5(%arg0: i32) -> (i32, i32, i32) {
    %c0_i32 = arith.constant 0 : i32
    %c0_i32_0 = arith.constant 0 : i32
    %c0_i32_1 = arith.constant 0 : i32
    return %c0_i32, %arg0, %c0_i32_0 : i32, i32, i32
  }
}

module attributes {stable_mosaic.version = 14 : i64} {
  func.func @_post_body(%arg0: i32, %arg1: memref<10240xf32, #tpu.memory_space<vmem>>, %arg2: memref<2x10240x128xf32, #tpu.memory_space<vmem>>, %arg3: memref<256xf32, #tpu.memory_space<vmem>>, %arg4: memref<10240x256xf32, #tpu.memory_space<vmem>>) attributes {dimension_semantics = [#tpu.dimension_semantics<arbitrary>], iteration_bounds = array<i64: 1>, scalar_prefetch = 0 : i64, scratch_operands = 0 : i64, tpu.core_type = #tpu.core_type<tc>, window_params = [{transform_indices = @transform_0, window_bounds = array<i64: 10240>}, {transform_indices = @transform_1, window_bounds = array<i64: 2, 10240, 128>}, {pipeline_mode = #tpu.pipeline_mode<synchronous>, transform_indices = @transform_2, window_bounds = array<i64: 256>}, {transform_indices = @transform_3, window_bounds = array<i64: 10240, 256>}]} {
    %get3A = arith.constant 0 : index
    %get3A_0 = vector.load %arg1[%get3A] : memref<10240xf32, #tpu.memory_space<vmem>>, vector<10240xf32>
    %jit3A = arith.constant 1.000000e+00 : f32
    %max3A = vector.broadcast %jit3A : f32 to vector<10240xf32>
    %max3A_1 = arith.maximumf %max3A, %get3A_0 : vector<10240xf32>
    %rsqrt3A = math.rsqrt %max3A_1 : vector<10240xf32>
    %get3A_2 = arith.constant 0 : index
    %get3A_3 = arith.constant 0 : index
    %get3A_4 = arith.constant 0 : index
    %get3A_5 = vector.load %arg2[%get3A_2, %get3A_3, %get3A_4] : memref<2x10240x128xf32, #tpu.memory_space<vmem>>, vector<1x10240x128xf32>
    %get3A_6 = vector.shape_cast %get3A_5 : vector<1x10240x128xf32> to vector<10240x128xf32>
    %get3A_7 = arith.constant 1 : index
    %get3A_8 = arith.constant 0 : index
    %get3A_9 = arith.constant 0 : index
    %get3A_10 = vector.load %arg2[%get3A_7, %get3A_8, %get3A_9] : memref<2x10240x128xf32, #tpu.memory_space<vmem>>, vector<1x10240x128xf32>
    %get3A_11 = vector.shape_cast %get3A_10 : vector<1x10240x128xf32> to vector<10240x128xf32>
    %concatenate3A = tpu.concatenate %get3A_6, %get3A_11 in 1 : vector<10240x128xf32>, vector<10240x128xf32> -> vector<10240x256xf32>
    %broadcast_in_dim3A = vector.shape_cast %rsqrt3A : vector<10240xf32> to vector<10240x1xf32>
    %mul3A = vector.broadcast %broadcast_in_dim3A : vector<10240x1xf32> to vector<10240x256xf32>
    %mul3A_12 = arith.mulf %concatenate3A, %mul3A : vector<10240x256xf32>
    %get3A_13 = arith.constant 0 : index
    %get3A_14 = vector.load %arg3[%get3A_13] : memref<256xf32, #tpu.memory_space<vmem>>, vector<256xf32>
    %broadcast_in_dim3A_15 = vector.shape_cast %get3A_14 : vector<256xf32> to vector<1x256xf32>
    %add3A = vector.broadcast %broadcast_in_dim3A_15 : vector<1x256xf32> to vector<10240x256xf32>
    %add3A_16 = arith.addf %mul3A_12, %add3A : vector<10240x256xf32>
    %swap3A = arith.constant 0 : index
    %swap3A_17 = arith.constant 0 : index
    %swap3A_18 = vector.load %arg4[%swap3A, %swap3A_17] : memref<10240x256xf32, #tpu.memory_space<vmem>>, vector<10240x256xf32>
    tpu.vector_store %arg4[%swap3A, %swap3A_17], %add3A_16 {strides = array<i32>} : memref<10240x256xf32, #tpu.memory_space<vmem>>, vector<10240x256xf32>,
    return
  }
  func.func @transform_0(%arg0: i32) -> i32 {
    %c0_i32 = arith.constant 0 : i32
    return %arg0 : i32
  }
  func.func @transform_1(%arg0: i32) -> (i32, i32, i32) {
    %c0_i32 = arith.constant 0 : i32
    %c0_i32_0 = arith.constant 0 : i32
    %c0_i32_1 = arith.constant 0 : i32
    return %c0_i32, %arg0, %c0_i32_0 : i32, i32, i32
  }
  func.func @transform_2(%arg0: i32) -> i32 {
    %c0_i32 = arith.constant 0 : i32
    %c0_i32_0 = arith.constant 0 : i32
    return %c0_i32 : i32
  }
  func.func @transform_3(%arg0: i32) -> (i32, i32) {
    %c0_i32 = arith.constant 0 : i32
    %c0_i32_0 = arith.constant 0 : i32
    return %arg0, %c0_i32 : i32, i32
  }
}

</mosaic_0001>

<sc_bundles>
// kernel: kernel.11.cloned.1.call-start
scs
__scs_entry_jumppad:
0x0: {  	(pc) =	sbr.rel $0x88, $3  }
0x1: {  	(tag) =	ssettag $0x0;
	lr =	simm.s32 $0x1  }
0x2: {  	[smem:$0x3F99] =	sst lr;
	_ =	strace $0xD0000000  }
0x3: {  	_ = 	snop  }
0x4: {  	_ = 	snop  }
0x5: {  	_ = 	snop  }
0x6: {  	_ = 	snop  }
0x7: {  	_ = 	snop  }
__scs_overlays_trampoline_lowered:
0x8: {  	[smem:$0x3FA8] =	sst s0  }
0x9: {  	[smem:$0x3FA9] =	sst s1  }
0xa: {  	[smem:$0x3FAA] =	sst s2  }
0xb: {  	[smem:$0x3FAB] =	sst s3  }
0xc: {  	[smem:$0x3FAC] =	sst s4  }
0xd: {  	[smem:$0x3FAD] =	sst s5  }
0xe: {  	[smem:$0x3FAE] =	sst s6  }
0xf: {  	[smem:$0x3FAF] =	sst s7  }
0x10: {  	[smem:$0x3FB0] =	sst s8  }
0x11: {  	[smem:$0x3FB1] =	sst s9;
	s0 =	simm.s32 @!p0 $0x0  }
0x12: {  	s1 =	sld [smem:$0x3F97];
	s0 =	simm.s32 @p0 $0x1  }
0x13: {  	[smem:$0x3FB2] =	sst s0;
	s0 =	simm.s32 @!p1 $0x0  }
0x14: {  	s2 =	sld [smem:$0x3F96];
	s0 =	simm.s32 @p1 $0x1  }
0x15: {  	[smem:$0x3FB3] =	sst s0;
	s0 =	simm.s32 @!p2 $0x0  }
0x16: {  	s3 =	sld [smem:$0x3FDB];
	s0 =	simm.s32 @p2 $0x1  }
0x17: {  	s4 =	simm.s32 $0x1BF5;
	[smem:$0x3FB5] =	sst s0  }
0x18: {  	s0 =	sld [smem:$0x3F98];
	_ =	swait.ge [sflag:s4], $0x0  }
0x19: {  	s7 =	sld [smem:$0x3F99]  }
0x1a: {  	s8 =	sadd.s32 $0xFFFFE003, lr  }
0x1b: {  	s9 =	sadd.s32 $0xFFFFFEF7, lr;
	s5 =	simm.s32 $0xFFFFFFFF;
	p2 =	slt.u32 s8, $0xFFFFF086  }
0x1c: {  	p1 =	slt.u32 s9, $0xF7A;
	s5 =	simm.s32 @!p2 $0x0  }
0x1d: {  	s5 =	simm.s32 @p1 $0x1;
	p0 =	seq.s32 s7, s2  }
0x1e: {  	s7 =	smul.u32 @!p0 $0xF7A, s2;
	p2 =	seq.s32 @!p0 s5, $0x0  }
0x1f: {  	s9 =	smul.u32 $0xF7A, s1;
	s8 =	simm.s32 @!p0 $0x1BF5;
	p2 =	por !p2, p0  }
0x20: {  	[sflag:s8] =	ssyncset.s32 @!p0 $0xFFFFF086;
	s6 =	sadd.s32 @!p0 s3, s7;
	s7 =	simm.s32 @!p0 $0x108  }
0x21: {  	s3 =	sadd.s32 s3, s9;
	s6 =	sadd.s32 @!p0 $0x88, s6;
	s7 =	simm.s32 @p2 $0x1082  }
0x22: {  	[simem:s7], [sflag:s8] =	dma.local @!p0 [hbm:s6], $0xF7A  }
0x23: {  	s9 =	sor.u32 $0xD0000000, s2;
	s6 =	simm.s32 $0x108;
	_ =	swait.ge @!p0 [sflag:s8], $0x0  }
0x24: {  	s3 =	sadd.s32 $0x88, s3;
	s6 =	simm.s32 @!p1 $0x1082;
	[sflag:s4] =	ssyncset.s32 $0xFFFFF086  }
0x25: {  	[simem:s6], [sflag:s4] =	dma.local [hbm:s3], $0xF7A  }
0x26: {  	[smem:$0x3F99] =	sst s1;
	(tag) =	ssettag s2;
	_ =	strace s9  }
0x27: {  	s1 =	sld [smem:$0x3FA9]  }
0x28: {  	s2 =	sld [smem:$0x3FAA]  }
0x29: {  	s4 =	sld [smem:$0x3FAC]  }
0x2a: {  	p0 =	seq.s32 s5, $0x0;
	s5 =	sld [smem:$0x3FAD]  }
0x2b: {  	s6 =	sld [smem:$0x3FAE]  }
0x2c: {  	s7 =	sld [smem:$0x3FAF]  }
0x2d: {  	s3 =	simm.s32 $0x108;
	s8 =	sld [smem:$0x3FB0]  }
0x2e: {  	s3 =	simm.s32 @!p0 $0x1082;
	s9 =	sld [smem:$0x3FB1]  }
0x2f: {  	lr =	sadd.s32 s0, s3;
	s0 =	sld [smem:$0x3FA8]  }
0x30: {  	s3 =	sld [smem:$0x3FAB]  }
0x31: {  	[smem:$0x3FB4] =	sst s10  }
0x32: {  	s10 =	sld [smem:$0x3FB2];
	_ =	sdelay $0x3  }
0x33: {  	p0 =	seq.s32 s10, $0x1;
	s10 =	sld [smem:$0x3FB4];
	_ =	sdelay $0x3  }
0x34: {  	[smem:$0x3FB4] =	sst s10  }
0x35: {  	s10 =	sld [smem:$0x3FB3];
	_ =	sdelay $0x3  }
0x36: {  	p1 =	seq.s32 s10, $0x1;
	s10 =	sld [smem:$0x3FB4];
	_ =	sdelay $0x3  }
0x37: {  	[smem:$0x3FB4] =	sst s10  }
0x38: {  	s10 =	sld [smem:$0x3FB5]  }
0x39: {  	_ = 	snop;
	(pc) =	sbr.ind lr, $3  }
0x3a: {  	_ = 	snop  }
0x3b: {  	_ = 	snop  }
0x3c: {  	p2 =	seq.s32 s10, $0x1;
	s10 =	sld [smem:$0x3FB4]  }
0x3d: {  	_ =	shalt  }
0x3e: {  	_ =	shalt  }
0x3f: {  	_ =	shalt  }
0x40: {  	_ =	shalt  }
0x41: {  	_ =	shalt  }
0x42: {  	_ =	shalt  }
0x43: {  	_ =	shalt  }
0x44: {  	_ =	shalt  }
0x45: {  	_ =	shalt  }
0x46: {  	_ =	shalt  }
0x47: {  	_ =	shalt  }
0x48: {  	_ =	shalt  }
0x49: {  	_ =	shalt  }
0x4a: {  	_ =	shalt  }
0x4b: {  	_ =	shalt  }
0x4c: {  	_ =	shalt  }
0x4d: {  	_ =	shalt  }
0x4e: {  	_ =	shalt  }
0x4f: {  	_ =	shalt  }
0x50: {  	_ =	shalt  }
0x51: {  	_ =	shalt  }
0x52: {  	_ =	shalt  }
0x53: {  	_ =	shalt  }
0x54: {  	_ =	shalt  }
0x55: {  	_ =	shalt  }
0x56: {  	_ =	shalt  }
0x57: {  	_ =	shalt  }
0x58: {  	_ =	shalt  }
0x59: {  	_ =	shalt  }
0x5a: {  	_ =	shalt  }
0x5b: {  	_ =	shalt  }
0x5c: {  	_ =	shalt  }
0x5d: {  	_ =	shalt  }
0x5e: {  	_ =	shalt  }
0x5f: {  	_ =	shalt  }
0x60: {  	_ =	shalt  }
0x61: {  	_ =	shalt  }
0x62: {  	_ =	shalt  }
0x63: {  	_ =	shalt  }
0x64: {  	_ =	shalt  }
0x65: {  	_ =	shalt  }
0x66: {  	_ =	shalt  }
0x67: {  	_ =	shalt  }
0x68: {  	_ =	shalt  }
0x69: {  	_ =	shalt  }
0x6a: {  	_ =	shalt  }
0x6b: {  	_ =	shalt  }
0x6c: {  	_ =	shalt  }
0x6d: {  	_ =	shalt  }
0x6e: {  	_ =	shalt  }
0x6f: {  	_ =	shalt  }
0x70: {  	_ =	shalt  }
0x71: {  	_ =	shalt  }
0x72: {  	_ =	shalt  }
0x73: {  	_ =	shalt  }
0x74: {  	_ =	shalt  }
0x75: {  	_ =	shalt  }
0x76: {  	_ =	shalt  }
0x77: {  	_ =	shalt  }
0x78: {  	_ =	shalt  }
0x79: {  	_ =	shalt  }
0x7a: {  	_ =	shalt  }
0x7b: {  	_ =	shalt  }
0x7c: {  	_ =	shalt  }
0x7d: {  	_ =	shalt  }
0x7e: {  	_ =	shalt  }
0x7f: {  	_ =	shalt  }
0x80: {  	_ =	shalt  }
0x81: {  	_ =	shalt  }
0x82: {  	_ =	shalt  }
0x83: {  	_ =	shalt  }
0x84: {  	_ =	shalt  }
0x85: {  	_ =	shalt  }
0x86: {  	_ =	shalt  }
0x87: {  	_ =	shalt  }
.Lfunc_end0:
.L_simem_size_0:
called_computation_lowered:
.L_overlay_start_0:
0x88: {  	s2 =	sld [smem:$0x3FD9]  }
0x89: {  	s3 =	sld [smem:$0x3FFE];
	_ =	sdelay $0x1  }
0x8a: {  	s1 =	srdreg.scid  }
0x8b: {  	s0 =	sand.u32 $0x1, s1  }
0x8c: {  	s17 =	sshll.u32 s0, $0xA;
	s2 =	sadd.s32 s3, s2  }
0x8d: {  	s2 =	sadd.s32 s2, s17  }
0x8e: {  	[smem:$0x3FC0] =	sst s2  }
0x8f: {  	_ = 	snop  }
0x90: {  	s2 =	sld [smem:$0x3FD0];
	(tm) =	ssettm $0x1  }
0x91: {  	s18 =	sld [smem:$0x3FFB];
	_ =	sdelay $0x3  }
0x92: {  	_ =	strace s18  }
0x93: {  	s3 =	sld [smem:$0x3FFC];
	_ =	sdelay $0x3  }
0x94: {  	_ =	strace s3  }
0x95: {  	s3 =	sld [smem:$0x3FFD];
	_ =	sdelay $0x3  }
0x96: {  	_ =	strace s3  }
0x97: {  	_ =	strace $0x8FFFFFFF  }
0x98: {  	s19 =	sld [smem:$0x3FDB];
	_ =	sdelay $0x1  }
0x99: {  	s4 =	simm.s32 $_scs_section_size  }
0x9a: {  	s5 =	simm.s32 $_size__tile_overlayer_lowered;
	s6 =	simm.s32 $_tile_overlayer_lowered  }
0x9b: {  	s22 =	simm.s32 $0x1BFF;
	s21 =	sshll.u32 s6, $0x1;
	s3 =	sadd.s32 s4, s19  }
0x9c: {  	s7 =	simm.s32 $0x0;
	s20 =	sshll.u32 s5, $0x1;
	s5 =	sadd.s32 s21, s3  }
0x9d: {  	[timem:s7], [sflag:s22] =	dma.local [hbm:s5], s20  }
0x9e: {  	_ =	swait.ge [sflag:s22], s20  }
0x9f: {  	s4 =	ssub.s32 $0x0, s20;
	[sflag:s22] =	ssyncset.done $0x0  }
0xa0: {  	[sflag:s22] =	ssyncadd.s32 s4;
	_ =	sdelay $0x1  }
0xa1: {  	s23 =	simm.s32 $0x1B8B  }
0xa2: {  	_ =	swait.ge [sflag:s23], $0x1  }
0xa3: {  	[sflag:s23] =	ssyncset.done $0x0  }
0xa4: {  	s25 =	simm.s32 $0x1B8E;
	s24 =	sld [smem:$0x3FFE];
	[sflag:s23] =	ssyncadd.s32 $0xFFFFFFFF  }
0xa5: {  	s26 =	simm.s32 $execute0_lowered;
	[smem:$0x3FD2] =	sst s25  }
0xa6: {  	s5 =	sshll.u32 s26, $0x1;
	_ =	strace $0x80000046;
	[dreg:$0x1] =	wrdreg $0xFFFFFFFF  }
0xa7: {  	s28 =	simm.s32 $_size_execute0_lowered;
	s3 =	sadd.s32 s3, s5;
	[dreg:$0x0] =	wrdreg $0x0  }
0xa8: {  	s5 =	sshll.u32 s28, $0x1;
	[dreg:$0x2] =	wrdreg s3  }
0xa9: {  	[dreg:$0x3] =	wrdreg s5  }
0xaa: {  	[dreg:$0x4] =	wrdreg $0xC0  }
0xab: {  	_ =	task [dreg:s7], $0x5FFFF  }
0xac: {  	[dreg:$0x1] =	wrdreg $0xFFFFFFFF  }
0xad: {  	[dreg:$0x0] =	wrdreg $0x60  }
0xae: {  	[dreg:$0x2] =	wrdreg s2  }
0xaf: {  	[dreg:$0x3] =	wrdreg s24  }
0xb0: {  	[dreg:$0x4] =	wrdreg $0x68000  }
0xb1: {  	[dreg:$0x5] =	wrdreg $0x9  }
0xb2: {  	_ =	task.clear_ibuf [dreg:s7], $0x6FFFF;
	_ =	strace $0x90000046  }
0xb3: {  	s29 =	simm.s32 $0x9;
	_ =	strace $0x80000048  }
0xb4: {  	_ =	swait.ge [sflag:s29], $0x1  }
0xb5: {  	[sflag:s29] =	ssyncadd.s32 $0xFFFFFFFF  }
0xb6: {  	_ =	strace $0x90000048  }
0xb7: {  	_ =	sfence  }
0xb8: {  	s30 =	sld [smem:$0x0];
	_ =	sdelay $0x2  }
0xb9: {  	s31 =	sshll.u32 s1, $0xD;
	s1 =	sshrl.u32 s1, $0x2  }
0xba: {  	s3 =	sand.u32 $0x4000, s31;
	s1 =	sadd.s32 s1, s30  }
0xbb: {  	s0 =	sor.u32 s3, s0;
	s1 =	sshll.u32 s1, $0x11  }
0xbc: {  	s0 =	sor.u32 s1, s0  }
0xbd: {  	s0 =	sadd.s32 $0x8F2B, s0  }
0xbe: {  	[sflag:s0] =	ssyncadd.remote.s32 $0x1  }
0xbf: {  	_ =	sfence.sel $0xFFFF  }
0xc0: {  	[dreg:$0x0] =	wrdreg $0xFFFFFFFF;
	(pc) =	sbr.abs _section_cstart, $3  }
0xc1: {  	[dreg:$0x1] =	wrdreg $0xFFFFFFFF  }
0xc2: {  	_ =	task.clear_ibuf [dreg:s7], $0x2FFFF;
	_ =	strace $0x9FFFFFFF  }
0xc3: {  	(tm) =	ssettm $0x7FFFFFFF  }
tec
execute0_lowered:
.L_overlay_start_1:
0x0: {  	(tag) =	ssettag $0x1  }
0x1: {  	s7 =	rddreg [dreg:$0x0]  }
0x2: {  	s6 =	rddreg [dreg:$0x1]  }
0x3: {  	s0 =	srdreg.scid;
	s2 =	rddreg [dreg:$0x2]  }
0x4: {  	s1 =	stileid.u32;
	s3 =	simm.s32 $0x0;
	s13 =	simm.s32 $0x80  }
0x5: {  	s14 =	simm.s32 $0x1;
	s16 =	simm.s32 $0x0;
	s5 =	smul.u32 $0x2800, s1  }
0x6: {  	s8 =	sand.u32 $0x1, s0;
	s0 =	rddreg [dreg:$0x3];
	s10 =	smul.u32 $0x51000, s1  }
0x7: {  	[smem:$0x7FF] =	sst s3;
	s12 =	smul.u32 $0x50000, s1;
	s31 =	sshll.u32 s1, $0x6  }
0x8: {  	s4 =	smul.u32 $0x28000, s8;
	s29 =	ssub.s32 $0x2, s8;
	s8 =	sshll.u32 s8, $0x4  }
0x9: {  	_ =	strace $0x80000047;
	s11 =	sshrl.u32 s29, $0x1;
	s8 =	sor.u32 s1, s8  }
0xa: {  	s30 =	sshrl.u32 s10, $0x2;
	s12 =	sshrl.u32 s12, $0x2;
	s9 =	sadd.s32 s5, s4  }
0xb: {  	s4 =	sadd.s32 $0x2600, s6;
	s5 =	sadd.s32 $0x2E00, s6;
	s11 =	ssub.s32 s29, s11  }
0xc: {  	s8 =	smul.u32 $0x500, s8;
	s10 =	sadd.s32 s30, s2;
	s15 =	sadd.s32 s12, s2  }
0xd: {  	s12 =	simm.s32 $0x2800;
	s9 =	sadd.s32 s9, s6;
	s6 =	sor.u32 $0x1C02, s31  }
0xe: {  	s10 =	sshrl.u32 s10, $0x3;
	s15 =	sshrl.u32 s15, $0x3;
	s7 =	sadd.s32 s7, s8  }
0xf: {  	s8 =	sadd.s32 $0x5800, s9;
	s9 =	smax.u32 s11, $0x1;
	s11 =	simm.s32 $0x2  }
.LBB2_1:
0x10: {  	[spmem:s10], [sflag:s6] =	dma.local [hbm:s5], $0x2880  }
0x11: {  	_ =	swait.ge [sflag:s11], $0x2880  }
0x12: {  	[sflag:s11] =	ssyncset.done $0x0  }
0x13: {  	[sflag:s11] =	ssyncadd.s32 $0xFFFFD780  }
0x14: {  	[tilespmem:s12], [sflag:$0x2] =	stream.linear.gather [hbm4b:s4+s3], $0x4000, $0x38;
	[tilespmem:$0x1AC00] =	vst v63  }
0x15: {  	_ =	swait.ge [sflag:s11], $0x4000  }
0x16: {  	[sflag:s11] =	ssyncset.done $0x0  }
0x17: {  	[sflag:s11] =	ssyncadd.s32 $0xFFFFC000  }
0x18: {  	[tilespmem:s3], [sflag:$0x2] =	stream.linear.gather [hbm4b:s7+s3], $0x2800, $0x38;
	[tilespmem:$0x1AC00] =	vst v63  }
0x19: {  	_ =	swait.ge [sflag:s11], $0x2800  }
0x1a: {  	[sflag:s11] =	ssyncset.done $0x0  }
0x1b: {  	[sflag:s11] =	ssyncadd.s32 $0xFFFFD800  }
0x1c: {  	s17 =	simm.s32 $0x0;
	[bflag:$0x0] =	sbarrier.arrive $0xFFFF  }
.LBB2_2:
0x1d: {  	p0 =	sne.s32 s17, $0x9E00  }
.Ltmp0:
0x1e: {  	_ = 	snop;
	(pc) =	sbr.rel @p0 .LBB2_2-.Ltmp0, $3  }
0x1f: {  	_ =	sdelay $0x1  }
0x20: {  	s18 =	sshra.s32 s17, $0x2;
	s17 =	sadd.s32 $0x200, s17  }
0x21: {  	[spmem:s2] =	stream.indirect.scatter.add.f32 [tilespmem:s12], [sflag:$0x1], $0x80, s18, s13, $0xb8;
	[tilespmem:$0x1AC00] =	vst v63  }
0x22: {  	_ =	swait.ge [sflag:s14], $0x4000  }
0x23: {  	s17 =	simm.s32 $0x4F;
	[sflag:s14] =	ssyncset.done $0x0  }
.LBB2_4:
0x24: {  	p0 =	sne.s32 s17, $0x1;
	s17 =	sadd.s32 $0xFFFFFFFF, s17;
	[sflag:s14] =	ssyncadd.s32 $0xFFFFC000  }
.Ltmp1:
0x25: {  	(pc) =	sbr.rel @p0 .LBB2_4-.Ltmp1, $3  }
0x26: {  	_ =	sdelay $0x1  }
0x27: {  	_ =	swait.ge [sflag:s14], $0x4000  }
0x28: {  	[sflag:s14] =	ssyncset.done $0x0  }
0x29: {  	s16 =	sadd.s32 $0x1, s16  }
0x2a: {  	[sflag:s14] =	ssyncadd.s32 $0xFFFFC000;
	p0 =	sne.s32 s16, s9  }
.Ltmp2:
0x2b: {  	[bflag:$0x0] =	sbarrier.arrive $0xFFFF;
	(pc) =	sbr.rel @p0 .LBB2_1-.Ltmp2, $4  }
0x2c: {  	[hbm:s8], [sflag:s6] =	dma.local [spmem:s15], $0x2800  }
0x2d: {  	_ =	swait.ge [sflag:s11], $0x2800  }
0x2e: {  	[sflag:s11] =	ssyncset.done $0x0  }
0x2f: {  	[sflag:s11] =	ssyncadd.s32 $0xFFFFD800  }
0x30: {  	_ =	sfence.sel $0x180000  }
0x31: {  	[bflag:$0x0] =	sbarrier.arrive $0xFFFF  }
0x32: {  	p0 =	sne.s32 s1, $0x0;
	_ =	strace $0x90000047  }
0x33: {  	s0 =	sadd.s32 @!p0 $0x100000, s0;
	[bflag:$0x2] =	sbarrier.arrive $0xFFFF  }
0x34: {  	[sflag:s0] =	ssyncadd.tile.s32 @!p0 $0x1;
	_ =	shalt  }
.Lfunc_end2:
_tile_overlayer_lowered:
.L_overlay_start_2:
0x35: {  	(tag) =	ssettag $0x2  }
0x36: {  	s0 =	rddreg [dreg:$0x0];
	s2 =	stileid.u32  }
0x37: {  	s1 =	rddreg [dreg:$0x1];
	p0 =	sne.s32 s2, $0x0  }
0x38: {  	s3 =	rddreg [dreg:$0x2];
	[bflag:$0x3] =	sbarrier.arrive $0xFFFF;
	s2 =	simm.s32 @!p0 $0x1C02  }
0x39: {  	[timem:s3], [sflag:s2] =	dma.local @!p0 [hbm:s0], s1  }
0x3a: {  	s0 =	simm.s32 @!p0 $0x2  }
0x3b: {  	_ =	swait.ge @!p0 [sflag:s0], s1  }
0x3c: {  	s1 =	ssub.s32 @!p0 $0x0, s1;
	[sflag:s0] =	ssyncset.done @!p0 $0x0  }
0x3d: {  	[sflag:s0] =	ssyncadd.s32 @!p0 s1  }
0x3e: {  	[bflag:$0x3] =	sbarrier.arrive $0xFFFF  }
0x3f: {  	_ =	shalt  }

// kernel: kernel.14.cloned.1.call-start
scs
__scs_entry_jumppad:
0x0: {  	(pc) =	sbr.rel $0x88, $3  }
0x1: {  	(tag) =	ssettag $0x0;
	lr =	simm.s32 $0x1  }
0x2: {  	[smem:$0x3F99] =	sst lr;
	_ =	strace $0xD0000000  }
0x3: {  	_ = 	snop  }
0x4: {  	_ = 	snop  }
0x5: {  	_ = 	snop  }
0x6: {  	_ = 	snop  }
0x7: {  	_ = 	snop  }
__scs_overlays_trampoline_lowered:
0x8: {  	[smem:$0x3FA8] =	sst s0  }
0x9: {  	[smem:$0x3FA9] =	sst s1  }
0xa: {  	[smem:$0x3FAA] =	sst s2  }
0xb: {  	[smem:$0x3FAB] =	sst s3  }
0xc: {  	[smem:$0x3FAC] =	sst s4  }
0xd: {  	[smem:$0x3FAD] =	sst s5  }
0xe: {  	[smem:$0x3FAE] =	sst s6  }
0xf: {  	[smem:$0x3FAF] =	sst s7  }
0x10: {  	[smem:$0x3FB0] =	sst s8  }
0x11: {  	[smem:$0x3FB1] =	sst s9;
	s0 =	simm.s32 @!p0 $0x0  }
0x12: {  	s1 =	sld [smem:$0x3F97];
	s0 =	simm.s32 @p0 $0x1  }
0x13: {  	[smem:$0x3FB2] =	sst s0;
	s0 =	simm.s32 @!p1 $0x0  }
0x14: {  	s2 =	sld [smem:$0x3F96];
	s0 =	simm.s32 @p1 $0x1  }
0x15: {  	[smem:$0x3FB3] =	sst s0;
	s0 =	simm.s32 @!p2 $0x0  }
0x16: {  	s3 =	sld [smem:$0x3FDB];
	s0 =	simm.s32 @p2 $0x1  }
0x17: {  	s4 =	simm.s32 $0x1BF5;
	[smem:$0x3FB5] =	sst s0  }
0x18: {  	s0 =	sld [smem:$0x3F98];
	_ =	swait.ge [sflag:s4], $0x0  }
0x19: {  	s7 =	sld [smem:$0x3F99]  }
0x1a: {  	s8 =	sadd.s32 $0xFFFFE003, lr  }
0x1b: {  	s9 =	sadd.s32 $0xFFFFFEF7, lr;
	s5 =	simm.s32 $0xFFFFFFFF;
	p2 =	slt.u32 s8, $0xFFFFF086  }
0x1c: {  	p1 =	slt.u32 s9, $0xF7A;
	s5 =	simm.s32 @!p2 $0x0  }
0x1d: {  	s5 =	simm.s32 @p1 $0x1;
	p0 =	seq.s32 s7, s2  }
0x1e: {  	s7 =	smul.u32 @!p0 $0xF7A, s2;
	p2 =	seq.s32 @!p0 s5, $0x0  }
0x1f: {  	s9 =	smul.u32 $0xF7A, s1;
	s8 =	simm.s32 @!p0 $0x1BF5;
	p2 =	por !p2, p0  }
0x20: {  	[sflag:s8] =	ssyncset.s32 @!p0 $0xFFFFF086;
	s6 =	sadd.s32 @!p0 s3, s7;
	s7 =	simm.s32 @!p0 $0x108  }
0x21: {  	s3 =	sadd.s32 s3, s9;
	s6 =	sadd.s32 @!p0 $0x88, s6;
	s7 =	simm.s32 @p2 $0x1082  }
0x22: {  	[simem:s7], [sflag:s8] =	dma.local @!p0 [hbm:s6], $0xF7A  }
0x23: {  	s9 =	sor.u32 $0xD0000000, s2;
	s6 =	simm.s32 $0x108;
	_ =	swait.ge @!p0 [sflag:s8], $0x0  }
0x24: {  	s3 =	sadd.s32 $0x88, s3;
	s6 =	simm.s32 @!p1 $0x1082;
	[sflag:s4] =	ssyncset.s32 $0xFFFFF086  }
0x25: {  	[simem:s6], [sflag:s4] =	dma.local [hbm:s3], $0xF7A  }
0x26: {  	[smem:$0x3F99] =	sst s1;
	(tag) =	ssettag s2;
	_ =	strace s9  }
0x27: {  	s1 =	sld [smem:$0x3FA9]  }
0x28: {  	s2 =	sld [smem:$0x3FAA]  }
0x29: {  	s4 =	sld [smem:$0x3FAC]  }
0x2a: {  	p0 =	seq.s32 s5, $0x0;
	s5 =	sld [smem:$0x3FAD]  }
0x2b: {  	s6 =	sld [smem:$0x3FAE]  }
0x2c: {  	s7 =	sld [smem:$0x3FAF]  }
0x2d: {  	s3 =	simm.s32 $0x108;
	s8 =	sld [smem:$0x3FB0]  }
0x2e: {  	s3 =	simm.s32 @!p0 $0x1082;
	s9 =	sld [smem:$0x3FB1]  }
0x2f: {  	lr =	sadd.s32 s0, s3;
	s0 =	sld [smem:$0x3FA8]  }
0x30: {  	s3 =	sld [smem:$0x3FAB]  }
0x31: {  	[smem:$0x3FB4] =	sst s10  }
0x32: {  	s10 =	sld [smem:$0x3FB2];
	_ =	sdelay $0x3  }
0x33: {  	p0 =	seq.s32 s10, $0x1;
	s10 =	sld [smem:$0x3FB4];
	_ =	sdelay $0x3  }
0x34: {  	[smem:$0x3FB4] =	sst s10  }
0x35: {  	s10 =	sld [smem:$0x3FB3];
	_ =	sdelay $0x3  }
0x36: {  	p1 =	seq.s32 s10, $0x1;
	s10 =	sld [smem:$0x3FB4];
	_ =	sdelay $0x3  }
0x37: {  	[smem:$0x3FB4] =	sst s10  }
0x38: {  	s10 =	sld [smem:$0x3FB5]  }
0x39: {  	_ = 	snop;
	(pc) =	sbr.ind lr, $3  }
0x3a: {  	_ = 	snop  }
0x3b: {  	_ = 	snop  }
0x3c: {  	p2 =	seq.s32 s10, $0x1;
	s10 =	sld [smem:$0x3FB4]  }
0x3d: {  	_ =	shalt  }
0x3e: {  	_ =	shalt  }
0x3f: {  	_ =	shalt  }
0x40: {  	_ =	shalt  }
0x41: {  	_ =	shalt  }
0x42: {  	_ =	shalt  }
0x43: {  	_ =	shalt  }
0x44: {  	_ =	shalt  }
0x45: {  	_ =	shalt  }
0x46: {  	_ =	shalt  }
0x47: {  	_ =	shalt  }
0x48: {  	_ =	shalt  }
0x49: {  	_ =	shalt  }
0x4a: {  	_ =	shalt  }
0x4b: {  	_ =	shalt  }
0x4c: {  	_ =	shalt  }
0x4d: {  	_ =	shalt  }
0x4e: {  	_ =	shalt  }
0x4f: {  	_ =	shalt  }
0x50: {  	_ =	shalt  }
0x51: {  	_ =	shalt  }
0x52: {  	_ =	shalt  }
0x53: {  	_ =	shalt  }
0x54: {  	_ =	shalt  }
0x55: {  	_ =	shalt  }
0x56: {  	_ =	shalt  }
0x57: {  	_ =	shalt  }
0x58: {  	_ =	shalt  }
0x59: {  	_ =	shalt  }
0x5a: {  	_ =	shalt  }
0x5b: {  	_ =	shalt  }
0x5c: {  	_ =	shalt  }
0x5d: {  	_ =	shalt  }
0x5e: {  	_ =	shalt  }
0x5f: {  	_ =	shalt  }
0x60: {  	_ =	shalt  }
0x61: {  	_ =	shalt  }
0x62: {  	_ =	shalt  }
0x63: {  	_ =	shalt  }
0x64: {  	_ =	shalt  }
0x65: {  	_ =	shalt  }
0x66: {  	_ =	shalt  }
0x67: {  	_ =	shalt  }
0x68: {  	_ =	shalt  }
0x69: {  	_ =	shalt  }
0x6a: {  	_ =	shalt  }
0x6b: {  	_ =	shalt  }
0x6c: {  	_ =	shalt  }
0x6d: {  	_ =	shalt  }
0x6e: {  	_ =	shalt  }
0x6f: {  	_ =	shalt  }
0x70: {  	_ =	shalt  }
0x71: {  	_ =	shalt  }
0x72: {  	_ =	shalt  }
0x73: {  	_ =	shalt  }
0x74: {  	_ =	shalt  }
0x75: {  	_ =	shalt  }
0x76: {  	_ =	shalt  }
0x77: {  	_ =	shalt  }
0x78: {  	_ =	shalt  }
0x79: {  	_ =	shalt  }
0x7a: {  	_ =	shalt  }
0x7b: {  	_ =	shalt  }
0x7c: {  	_ =	shalt  }
0x7d: {  	_ =	shalt  }
0x7e: {  	_ =	shalt  }
0x7f: {  	_ =	shalt  }
0x80: {  	_ =	shalt  }
0x81: {  	_ =	shalt  }
0x82: {  	_ =	shalt  }
0x83: {  	_ =	shalt  }
0x84: {  	_ =	shalt  }
0x85: {  	_ =	shalt  }
0x86: {  	_ =	shalt  }
0x87: {  	_ =	shalt  }
.Lfunc_end0:
.L_simem_size_0:
called_computation.1_lowered:
.L_overlay_start_0:
0x88: {  	s2 =	sld [smem:$0x3FD9]  }
0x89: {  	s3 =	sld [smem:$0x3FFE];
	_ =	sdelay $0x1  }
0x8a: {  	s1 =	srdreg.scid  }
0x8b: {  	s0 =	sand.u32 $0x1, s1  }
0x8c: {  	s16 =	sshll.u32 s0, $0xA;
	s2 =	sadd.s32 s3, s2  }
0x8d: {  	s2 =	sadd.s32 s2, s16  }
0x8e: {  	[smem:$0x3FC0] =	sst s2  }
0x8f: {  	_ = 	snop  }
0x90: {  	(tm) =	ssettm $0x1  }
0x91: {  	s17 =	sld [smem:$0x3FFB];
	_ =	sdelay $0x3  }
0x92: {  	_ =	strace s17  }
0x93: {  	s2 =	sld [smem:$0x3FFC];
	_ =	sdelay $0x3  }
0x94: {  	_ =	strace s2  }
0x95: {  	s2 =	sld [smem:$0x3FFD];
	_ =	sdelay $0x3  }
0x96: {  	_ =	strace s2  }
0x97: {  	_ =	strace $0x8FFFFFFF  }
0x98: {  	s18 =	sld [smem:$0x3FDB];
	_ =	sdelay $0x1  }
0x99: {  	s19 =	simm.s32 $_scs_section_size  }
0x9a: {  	s4 =	simm.s32 $_size__tile_overlayer_lowered;
	s5 =	simm.s32 $_tile_overlayer_lowered  }
0x9b: {  	s22 =	simm.s32 $0x1BFF;
	s21 =	sshll.u32 s5, $0x1;
	s2 =	sadd.s32 s19, s18  }
0x9c: {  	s6 =	simm.s32 $0x0;
	s20 =	sshll.u32 s4, $0x1;
	s4 =	sadd.s32 s21, s2  }
0x9d: {  	[timem:s6], [sflag:s22] =	dma.local [hbm:s4], s20  }
0x9e: {  	_ =	swait.ge [sflag:s22], s20  }
0x9f: {  	s3 =	ssub.s32 $0x0, s20;
	[sflag:s22] =	ssyncset.done $0x0  }
0xa0: {  	[sflag:s22] =	ssyncadd.s32 s3;
	_ =	sdelay $0x1  }
0xa1: {  	s23 =	simm.s32 $0x1B8B  }
0xa2: {  	_ =	swait.ge [sflag:s23], $0x1  }
0xa3: {  	[sflag:s23] =	ssyncset.done $0x0  }
0xa4: {  	s25 =	simm.s32 $0x1B8E;
	s24 =	sld [smem:$0x3FFE];
	[sflag:s23] =	ssyncadd.s32 $0xFFFFFFFF  }
0xa5: {  	s26 =	simm.s32 $execute0_lowered;
	[smem:$0x3FD2] =	sst s25  }
0xa6: {  	s4 =	sshll.u32 s26, $0x1;
	_ =	strace $0x80000049;
	[dreg:$0x1] =	wrdreg $0xFFFFFFFF  }
0xa7: {  	s28 =	simm.s32 $_size_execute0_lowered;
	s2 =	sadd.s32 s2, s4;
	[dreg:$0x0] =	wrdreg $0x0  }
0xa8: {  	s4 =	sshll.u32 s28, $0x1;
	[dreg:$0x2] =	wrdreg s2  }
0xa9: {  	[dreg:$0x3] =	wrdreg s4  }
0xaa: {  	[dreg:$0x4] =	wrdreg $0xC0  }
0xab: {  	_ =	task [dreg:s6], $0x5FFFF  }
0xac: {  	[dreg:$0x1] =	wrdreg $0xFFFFFFFF  }
0xad: {  	[dreg:$0x0] =	wrdreg $0x60  }
0xae: {  	[dreg:$0x2] =	wrdreg s24  }
0xaf: {  	[dreg:$0x3] =	wrdreg $0xA8000  }
0xb0: {  	[dreg:$0x4] =	wrdreg $0x9  }
0xb1: {  	_ =	task.clear_ibuf [dreg:s6], $0x5FFFF;
	_ =	strace $0x90000049  }
0xb2: {  	s29 =	simm.s32 $0x9;
	_ =	strace $0x8000004B  }
0xb3: {  	_ =	swait.ge [sflag:s29], $0x1  }
0xb4: {  	[sflag:s29] =	ssyncadd.s32 $0xFFFFFFFF  }
0xb5: {  	_ =	strace $0x9000004B  }
0xb6: {  	_ =	sfence  }
0xb7: {  	s30 =	sld [smem:$0x0];
	_ =	sdelay $0x2  }
0xb8: {  	s31 =	sshll.u32 s1, $0xD;
	s1 =	sshrl.u32 s1, $0x2  }
0xb9: {  	s3 =	sand.u32 $0x4000, s31;
	s1 =	sadd.s32 s1, s30  }
0xba: {  	s0 =	sor.u32 s3, s0;
	s1 =	sshll.u32 s1, $0x11  }
0xbb: {  	s0 =	sor.u32 s1, s0  }
0xbc: {  	s0 =	sadd.s32 $0x8F2B, s0  }
0xbd: {  	[sflag:s0] =	ssyncadd.remote.s32 $0x1  }
0xbe: {  	_ =	sfence.sel $0xFFFF  }
0xbf: {  	[dreg:$0x0] =	wrdreg $0xFFFFFFFF;
	(pc) =	sbr.abs _section_cstart, $3  }
0xc0: {  	[dreg:$0x1] =	wrdreg $0xFFFFFFFF  }
0xc1: {  	_ =	task.clear_ibuf [dreg:s6], $0x2FFFF;
	_ =	strace $0x9FFFFFFF  }
0xc2: {  	(tm) =	ssettm $0x7FFFFFFF  }
0xc3: {  	_ =	shalt  }
tec
execute0_lowered:
.L_overlay_start_1:
0x0: {  	(tag) =	ssettag $0x1  }
0x1: {  	s7 =	rddreg [dreg:$0x0]  }
0x2: {  	s0 =	srdreg.scid;
	s2 =	rddreg [dreg:$0x1]  }
0x3: {  	s3 =	simm.s32 $0x0;
	s15 =	simm.s32 $0x1400;
	s16 =	simm.s32 $0x80  }
0x4: {  	s17 =	simm.s32 $0x2800;
	s6 =	sand.u32 $0x1, s0;
	s0 =	stileid.u32  }
0x5: {  	s18 =	simm.s32 $0x6800;
	s19 =	simm.s32 $0x1;
	s8 =	smul.u32 $0x500, s0  }
0x6: {  	s20 =	simm.s32 $0x2;
	s21 =	simm.s32 $0x1380;
	s9 =	smul.u32 $0x28000, s6  }
0x7: {  	s22 =	simm.s32 $0x2700;
	s23 =	simm.s32 $0x2780;
	s25 =	smul.u32 $0x2800, s0  }
0x8: {  	[smem:$0x7FF] =	sst s3;
	s1 =	sshll.u32 s6, $0x4;
	s10 =	smul.u32 $0x51000, s0  }
0x9: {  	s6 =	ssub.s32 $0x2, s6;
	s13 =	smul.u32 $0x50000, s0;
	s30 =	sshll.u32 s0, $0x6  }
0xa: {  	s4 =	sor.u32 s0, s1;
	s1 =	rddreg [dreg:$0x2];
	_ =	strace $0x8000004A  }
0xb: {  	s26 =	sshrl.u32 s6, $0x1;
	s5 =	smul.u32 $0x500, s4;
	s4 =	sadd.s32 $0x5800, s7  }
0xc: {  	s12 =	sadd.s32 s8, s7;
	s8 =	sadd.s32 s25, s9;
	s28 =	ssub.s32 s6, s26  }
0xd: {  	s29 =	sshrl.u32 s10, $0x2;
	s31 =	sshrl.u32 s13, $0x2;
	s6 =	sor.u32 $0x1C03, s30  }
0xe: {  	s25 =	simm.s32 $0x0;
	s14 =	sadd.s32 s29, s2;
	s24 =	sadd.s32 s31, s2  }
0xf: {  	s10 =	sadd.s32 $0x55800, s12;
	s12 =	sadd.s32 $0x55A80, s12;
	s11 =	sadd.s32 s5, s7  }
0x10: {  	s5 =	sadd.s32 $0x2E00, s7;
	s7 =	sadd.s32 s8, s7;
	s8 =	smax.u32 s28, $0x1  }
0x11: {  	s13 =	sshrl.u32 s14, $0x3;
	s14 =	simm.s32 $0x3;
	s24 =	sshrl.u32 s24, $0x3  }
0x12: {  	s7 =	sadd.s32 $0x64800, s7;
	s9 =	sadd.s32 $0x5A800, s11;
	s11 =	sadd.s32 $0x5AA80, s11  }
.LBB2_1:
0x13: {  	[spmem:s13], [sflag:s6] =	dma.local [hbm:s5], $0x2880  }
0x14: {  	_ =	swait.ge [sflag:s14], $0x2880  }
0x15: {  	[sflag:s14] =	ssyncset.done $0x0  }
0x16: {  	[sflag:s14] =	ssyncadd.s32 $0xFFFFD780  }
0x17: {  	[bflag:$0x0] =	sbarrier.arrive $0xFFFF  }
0x18: {  	[tilespmem:s3], [sflag:$0x3] =	stream.linear.gather [hbm4b:s9+s3], $0x1400, $0x38;
	[tilespmem:$0x1EC00] =	vst v63  }
0x19: {  	_ =	swait.ge [sflag:s14], $0x1400  }
0x1a: {  	[sflag:s14] =	ssyncset.done $0x0  }
0x1b: {  	[sflag:s14] =	ssyncadd.s32 $0xFFFFEC00  }
0x1c: {  	[tilespmem:s15], [sflag:$0x3] =	stream.linear.gather [hbm4b:s10+s3], $0x1400, $0x38;
	[tilespmem:$0x1EC00] =	vst v63  }
0x1d: {  	_ =	swait.ge [sflag:s14], $0x1400  }
0x1e: {  	[sflag:s14] =	ssyncset.done $0x0  }
0x1f: {  	[sflag:s14] =	ssyncadd.s32 $0xFFFFEC00  }
0x20: {  	[tilespmem:s17], [sflag:$0x1] =	stream.indirect.gather [hbm4b:s4+s16], $0x80, s3, s16, $0xb8;
	[tilespmem:$0x1EC00] =	vst v63  }
0x21: {  	s26 =	simm.s32 $0x80  }
0x22: {  	[tilespmem:s18], [sflag:$0x2] =	stream.indirect.gather [hbm4b:s4+s16], $0x80, s26, s16, $0xb8;
	[tilespmem:$0x1EC00] =	vst v63  }
0x23: {  	_ =	swait.ge [sflag:s19], $0x4000  }
0x24: {  	[sflag:s19] =	ssyncset.done $0x0  }
0x25: {  	s29 =	simm.s32 $0x1400;
	[sflag:s19] =	ssyncadd.s32 $0xFFFFC000  }
0x26: {  	[spmem:s2] =	stream.indirect.scatter.add.f32 [tilespmem:s17], [sflag:$0x3], $0x80, s29, s16, $0xb8;
	[tilespmem:$0x1EC00] =	vst v63  }
0x27: {  	_ =	swait.ge [sflag:s14], $0x4000  }
0x28: {  	[sflag:s14] =	ssyncset.done $0x0  }
0x29: {  	s30 =	simm.s32 $0x100;
	[sflag:s14] =	ssyncadd.s32 $0xFFFFC000  }
0x2a: {  	[tilespmem:s17], [sflag:$0x1] =	stream.indirect.gather [hbm4b:s4+s16], $0x80, s30, s16, $0xb8;
	[tilespmem:$0x1EC00] =	vst v63  }
0x2b: {  	_ =	swait.ge [sflag:s20], $0x4000  }
0x2c: {  	[sflag:s20] =	ssyncset.done $0x0  }
0x2d: {  	s31 =	simm.s32 $0x1480;
	[sflag:s20] =	ssyncadd.s32 $0xFFFFC000  }
0x2e: {  	[spmem:s2] =	stream.indirect.scatter.add.f32 [tilespmem:s18], [sflag:$0x3], $0x80, s31, s16, $0xb8;
	[tilespmem:$0x1EC00] =	vst v63  }
0x2f: {  	_ =	swait.ge [sflag:s14], $0x4000  }
0x30: {  	s28 =	simm.s32 $0x800;
	s26 =	simm.s32 $0x100;
	[sflag:s14] =	ssyncset.done $0x0  }
.LBB2_2:
0x31: {  	s29 =	sadd.s32 $0x80, s26  }
0x32: {  	[sflag:s14] =	ssyncadd.s32 $0xFFFFC000;
	s30 =	smov.u32 s28;
	s31 =	sadd.s32 $0x400, s28  }
0x33: {  	[tilespmem:s18], [sflag:$0x2] =	stream.indirect.gather [hbm4b:s4+s16], $0x80, s29, s16, $0xb8;
	[tilespmem:$0x1EC00] =	vst v63  }
0x34: {  	p0 =	sne.s32 s28, $0x4800;
	_ =	swait.ge [sflag:s19], $0x4000  }
0x35: {  	[sflag:s19] =	ssyncset.done $0x0  }
0x36: {  	s28 =	sadd.s32 $0x1400, s26;
	[sflag:s19] =	ssyncadd.s32 $0xFFFFC000  }
0x37: {  	[spmem:s2] =	stream.indirect.scatter.add.f32 [tilespmem:s17], [sflag:$0x3], $0x80, s28, s16, $0xb8;
	[tilespmem:$0x1EC00] =	vst v63  }
0x38: {  	_ =	swait.ge [sflag:s14], $0x4000  }
0x39: {  	[sflag:s14] =	ssyncset.done $0x0  }
0x3a: {  	s28 =	sadd.s32 $0x100, s26;
	[sflag:s14] =	ssyncadd.s32 $0xFFFFC000  }
0x3b: {  	[tilespmem:s17], [sflag:$0x1] =	stream.indirect.gather [hbm4b:s4+s16], $0x80, s28, s16, $0xb8;
	[tilespmem:$0x1EC00] =	vst v63  }
0x3c: {  	_ =	swait.ge [sflag:s20], $0x4000  }
.Ltmp0:
0x3d: {  	[sflag:s20] =	ssyncset.done $0x0;
	(pc) =	sbr.rel @p0 .LBB2_2-.Ltmp0, $4  }
0x3e: {  	s26 =	sadd.s32 $0x1480, s26;
	[sflag:s20] =	ssyncadd.s32 $0xFFFFC000  }
0x3f: {  	[spmem:s2] =	stream.indirect.scatter.add.f32 [tilespmem:s18], [sflag:$0x3], $0x80, s26, s16, $0xb8;
	[tilespmem:$0x1EC00] =	vst v63  }
0x40: {  	_ =	swait.ge [sflag:s14], $0x4000  }
0x41: {  	s28 =	smov.u32 s31;
	s26 =	sshra.s32 s30, $0x2;
	[sflag:s14] =	ssyncset.done $0x0  }
0x42: {  	s28 =	sadd.s32 $0x80, s26;
	[sflag:s14] =	ssyncadd.s32 $0xFFFFC000  }
0x43: {  	[tilespmem:s18], [sflag:$0x2] =	stream.indirect.gather [hbm4b:s4+s16], $0x80, s28, s16, $0xb8;
	[tilespmem:$0x1EC00] =	vst v63  }
0x44: {  	_ =	swait.ge [sflag:s19], $0x4000  }
0x45: {  	[sflag:s19] =	ssyncset.done $0x0  }
0x46: {  	s28 =	sadd.s32 $0x1400, s26;
	[sflag:s19] =	ssyncadd.s32 $0xFFFFC000  }
0x47: {  	[spmem:s2] =	stream.indirect.scatter.add.f32 [tilespmem:s17], [sflag:$0x3], $0x80, s28, s16, $0xb8;
	[tilespmem:$0x1EC00] =	vst v63  }
0x48: {  	_ =	swait.ge [sflag:s14], $0x4000  }
0x49: {  	[sflag:s14] =	ssyncset.done $0x0  }
0x4a: {  	s28 =	sadd.s32 $0x100, s26;
	[sflag:s14] =	ssyncadd.s32 $0xFFFFC000  }
0x4b: {  	[tilespmem:s17], [sflag:$0x1] =	stream.indirect.gather [hbm4b:s4+s16], $0x80, s28, s16, $0xb8;
	[tilespmem:$0x1EC00] =	vst v63  }
0x4c: {  	_ =	swait.ge [sflag:s20], $0x4000  }
0x4d: {  	[sflag:s20] =	ssyncset.done $0x0  }
0x4e: {  	s29 =	sadd.s32 $0x1480, s26;
	[sflag:s20] =	ssyncadd.s32 $0xFFFFC000  }
0x4f: {  	[spmem:s2] =	stream.indirect.scatter.add.f32 [tilespmem:s18], [sflag:$0x3], $0x80, s29, s16, $0xb8;
	[tilespmem:$0x1EC00] =	vst v63  }
0x50: {  	_ =	swait.ge [sflag:s14], $0x4000  }
0x51: {  	[sflag:s14] =	ssyncset.done $0x0  }
0x52: {  	[sflag:s14] =	ssyncadd.s32 $0xFFFFC000  }
0x53: {  	[tilespmem:s18], [sflag:$0x2] =	stream.indirect.gather [hbm4b:s4+s16], $0x80, s21, s16, $0xb8;
	[tilespmem:$0x1EC00] =	vst v63  }
0x54: {  	_ =	swait.ge [sflag:s19], $0x4000  }
0x55: {  	[sflag:s19] =	ssyncset.done $0x0  }
0x56: {  	[sflag:s19] =	ssyncadd.s32 $0xFFFFC000  }
0x57: {  	[spmem:s2] =	stream.indirect.scatter.add.f32 [tilespmem:s17], [sflag:$0x3], $0x80, s22, s16, $0xb8;
	[tilespmem:$0x1EC00] =	vst v63  }
0x58: {  	_ =	swait.ge [sflag:s14], $0x4000  }
0x59: {  	[sflag:s14] =	ssyncset.done $0x0  }
0x5a: {  	[sflag:s14] =	ssyncadd.s32 $0xFFFFC000  }
0x5b: {  	_ =	swait.ge [sflag:s20], $0x4000  }
0x5c: {  	[sflag:s20] =	ssyncset.done $0x0  }
0x5d: {  	[sflag:s20] =	ssyncadd.s32 $0xFFFFC000  }
0x5e: {  	[spmem:s2] =	stream.indirect.scatter.add.f32 [tilespmem:s18], [sflag:$0x3], $0x80, s23, s16, $0xb8;
	[tilespmem:$0x1EC00] =	vst v63  }
0x5f: {  	_ =	swait.ge [sflag:s14], $0x4000  }
0x60: {  	[sflag:s14] =	ssyncset.done $0x0  }
0x61: {  	s30 =	simm.s32 $0x0;
	[sflag:s14] =	ssyncadd.s32 $0xFFFFC000  }
0x62: {  	[tilespmem:s30], [sflag:$0x3] =	stream.linear.gather [hbm4b:s11+s30], $0x1400, $0x38;
	[tilespmem:$0x1EC00] =	vst v63  }
0x63: {  	_ =	swait.ge [sflag:s14], $0x1400  }
0x64: {  	[sflag:s14] =	ssyncset.done $0x0  }
0x65: {  	[sflag:s14] =	ssyncadd.s32 $0xFFFFEC00  }
0x66: {  	[tilespmem:s15], [sflag:$0x3] =	stream.linear.gather [hbm4b:s12+s30], $0x1400, $0x38;
	[tilespmem:$0x1EC00] =	vst v63  }
0x67: {  	_ =	swait.ge [sflag:s14], $0x1400  }
0x68: {  	[sflag:s14] =	ssyncset.done $0x0  }
0x69: {  	[sflag:s14] =	ssyncadd.s32 $0xFFFFEC00  }
0x6a: {  	[tilespmem:s17], [sflag:$0x1] =	stream.indirect.gather [hbm4b:s4+s16], $0x80, s30, s16, $0xb8;
	[tilespmem:$0x1EC00] =	vst v63  }
0x6b: {  	s31 =	simm.s32 $0x80  }
0x6c: {  	[tilespmem:s18], [sflag:$0x2] =	stream.indirect.gather [hbm4b:s4+s16], $0x80, s31, s16, $0xb8;
	[tilespmem:$0x1EC00] =	vst v63  }
0x6d: {  	_ =	swait.ge [sflag:s19], $0x4000  }
0x6e: {  	[sflag:s19] =	ssyncset.done $0x0  }
0x6f: {  	s29 =	simm.s32 $0x1400;
	[sflag:s19] =	ssyncadd.s32 $0xFFFFC000  }
0x70: {  	[spmem:s2] =	stream.indirect.scatter.add.f32 [tilespmem:s17], [sflag:$0x3], $0x80, s29, s16, $0xb8;
	[tilespmem:$0x1EC00] =	vst v63  }
0x71: {  	_ =	swait.ge [sflag:s14], $0x4000  }
0x72: {  	[sflag:s14] =	ssyncset.done $0x0  }
0x73: {  	s30 =	simm.s32 $0x100;
	[sflag:s14] =	ssyncadd.s32 $0xFFFFC000  }
0x74: {  	[tilespmem:s17], [sflag:$0x1] =	stream.indirect.gather [hbm4b:s4+s16], $0x80, s30, s16, $0xb8;
	[tilespmem:$0x1EC00] =	vst v63  }
0x75: {  	_ =	swait.ge [sflag:s20], $0x4000  }
0x76: {  	[sflag:s20] =	ssyncset.done $0x0  }
0x77: {  	s31 =	simm.s32 $0x1480;
	[sflag:s20] =	ssyncadd.s32 $0xFFFFC000  }
0x78: {  	[spmem:s2] =	stream.indirect.scatter.add.f32 [tilespmem:s18], [sflag:$0x3], $0x80, s31, s16, $0xb8;
	[tilespmem:$0x1EC00] =	vst v63  }
0x79: {  	_ =	swait.ge [sflag:s14], $0x4000  }
0x7a: {  	s26 =	simm.s32 $0x100;
	s28 =	simm.s32 $0x800;
	[sflag:s14] =	ssyncset.done $0x0  }
.LBB2_4:
0x7b: {  	s29 =	sadd.s32 $0x80, s26  }
0x7c: {  	[sflag:s14] =	ssyncadd.s32 $0xFFFFC000;
	s30 =	smov.u32 s28;
	s31 =	sadd.s32 $0x400, s28  }
0x7d: {  	[tilespmem:s18], [sflag:$0x2] =	stream.indirect.gather [hbm4b:s4+s16], $0x80, s29, s16, $0xb8;
	[tilespmem:$0x1EC00] =	vst v63  }
0x7e: {  	p0 =	sne.s32 s28, $0x4800;
	_ =	swait.ge [sflag:s19], $0x4000  }
0x7f: {  	[sflag:s19] =	ssyncset.done $0x0  }
0x80: {  	s28 =	sadd.s32 $0x1400, s26;
	[sflag:s19] =	ssyncadd.s32 $0xFFFFC000  }
0x81: {  	[spmem:s2] =	stream.indirect.scatter.add.f32 [tilespmem:s17], [sflag:$0x3], $0x80, s28, s16, $0xb8;
	[tilespmem:$0x1EC00] =	vst v63  }
0x82: {  	_ =	swait.ge [sflag:s14], $0x4000  }
0x83: {  	[sflag:s14] =	ssyncset.done $0x0  }
0x84: {  	s28 =	sadd.s32 $0x100, s26;
	[sflag:s14] =	ssyncadd.s32 $0xFFFFC000  }
0x85: {  	[tilespmem:s17], [sflag:$0x1] =	stream.indirect.gather [hbm4b:s4+s16], $0x80, s28, s16, $0xb8;
	[tilespmem:$0x1EC00] =	vst v63  }
0x86: {  	_ =	swait.ge [sflag:s20], $0x4000  }
.Ltmp1:
0x87: {  	[sflag:s20] =	ssyncset.done $0x0;
	(pc) =	sbr.rel @p0 .LBB2_4-.Ltmp1, $4  }
0x88: {  	s26 =	sadd.s32 $0x1480, s26;
	[sflag:s20] =	ssyncadd.s32 $0xFFFFC000  }
0x89: {  	[spmem:s2] =	stream.indirect.scatter.add.f32 [tilespmem:s18], [sflag:$0x3], $0x80, s26, s16, $0xb8;
	[tilespmem:$0x1EC00] =	vst v63  }
0x8a: {  	_ =	swait.ge [sflag:s14], $0x4000  }
0x8b: {  	s28 =	smov.u32 s31;
	s26 =	sshra.s32 s30, $0x2;
	[sflag:s14] =	ssyncset.done $0x0  }
0x8c: {  	s28 =	sadd.s32 $0x80, s26;
	[sflag:s14] =	ssyncadd.s32 $0xFFFFC000  }
0x8d: {  	[tilespmem:s18], [sflag:$0x2] =	stream.indirect.gather [hbm4b:s4+s16], $0x80, s28, s16, $0xb8;
	[tilespmem:$0x1EC00] =	vst v63  }
0x8e: {  	_ =	swait.ge [sflag:s19], $0x4000  }
0x8f: {  	[sflag:s19] =	ssyncset.done $0x0  }
0x90: {  	s29 =	sadd.s32 $0x1400, s26;
	[sflag:s19] =	ssyncadd.s32 $0xFFFFC000  }
0x91: {  	[spmem:s2] =	stream.indirect.scatter.add.f32 [tilespmem:s17], [sflag:$0x3], $0x80, s29, s16, $0xb8;
	[tilespmem:$0x1EC00] =	vst v63  }
0x92: {  	_ =	swait.ge [sflag:s14], $0x4000  }
0x93: {  	[sflag:s14] =	ssyncset.done $0x0  }
0x94: {  	s30 =	sadd.s32 $0x100, s26;
	[sflag:s14] =	ssyncadd.s32 $0xFFFFC000  }
0x95: {  	[tilespmem:s17], [sflag:$0x1] =	stream.indirect.gather [hbm4b:s4+s16], $0x80, s30, s16, $0xb8;
	[tilespmem:$0x1EC00] =	vst v63  }
0x96: {  	_ =	swait.ge [sflag:s20], $0x4000  }
0x97: {  	[sflag:s20] =	ssyncset.done $0x0  }
0x98: {  	s31 =	sadd.s32 $0x1480, s26;
	[sflag:s20] =	ssyncadd.s32 $0xFFFFC000  }
0x99: {  	[spmem:s2] =	stream.indirect.scatter.add.f32 [tilespmem:s18], [sflag:$0x3], $0x80, s31, s16, $0xb8;
	[tilespmem:$0x1EC00] =	vst v63  }
0x9a: {  	_ =	swait.ge [sflag:s14], $0x4000  }
0x9b: {  	[sflag:s14] =	ssyncset.done $0x0  }
0x9c: {  	[sflag:s14] =	ssyncadd.s32 $0xFFFFC000  }
0x9d: {  	[tilespmem:s18], [sflag:$0x2] =	stream.indirect.gather [hbm4b:s4+s16], $0x80, s21, s16, $0xb8;
	[tilespmem:$0x1EC00] =	vst v63  }
0x9e: {  	_ =	swait.ge [sflag:s19], $0x4000  }
0x9f: {  	[sflag:s19] =	ssyncset.done $0x0  }
0xa0: {  	[sflag:s19] =	ssyncadd.s32 $0xFFFFC000  }
0xa1: {  	[spmem:s2] =	stream.indirect.scatter.add.f32 [tilespmem:s17], [sflag:$0x3], $0x80, s22, s16, $0xb8;
	[tilespmem:$0x1EC00] =	vst v63  }
0xa2: {  	_ =	swait.ge [sflag:s14], $0x4000  }
0xa3: {  	[sflag:s14] =	ssyncset.done $0x0  }
0xa4: {  	[sflag:s14] =	ssyncadd.s32 $0xFFFFC000  }
0xa5: {  	_ =	swait.ge [sflag:s20], $0x4000  }
0xa6: {  	[sflag:s20] =	ssyncset.done $0x0  }
0xa7: {  	[sflag:s20] =	ssyncadd.s32 $0xFFFFC000  }
0xa8: {  	[spmem:s2] =	stream.indirect.scatter.add.f32 [tilespmem:s18], [sflag:$0x3], $0x80, s23, s16, $0xb8;
	[tilespmem:$0x1EC00] =	vst v63  }
0xa9: {  	_ =	swait.ge [sflag:s14], $0x4000  }
0xaa: {  	s25 =	sadd.s32 $0x1, s25;
	[sflag:s14] =	ssyncset.done $0x0  }
0xab: {  	p0 =	sne.s32 s25, s8;
	[sflag:s14] =	ssyncadd.s32 $0xFFFFC000  }
.Ltmp2:
0xac: {  	[bflag:$0x0] =	sbarrier.arrive $0xFFFF;
	(pc) =	sbr.rel @p0 .LBB2_1-.Ltmp2, $4  }
0xad: {  	[hbm:s7], [sflag:s6] =	dma.local [spmem:s24], $0x2800  }
0xae: {  	_ =	swait.ge [sflag:s14], $0x2800  }
0xaf: {  	[sflag:s14] =	ssyncset.done $0x0  }
0xb0: {  	[sflag:s14] =	ssyncadd.s32 $0xFFFFD800  }
0xb1: {  	_ =	sfence.sel $0x180000  }
0xb2: {  	[bflag:$0x0] =	sbarrier.arrive $0xFFFF  }
0xb3: {  	p0 =	sne.s32 s0, $0x0;
	_ =	strace $0x9000004A  }
0xb4: {  	s0 =	sadd.s32 @!p0 $0x100000, s1;
	[bflag:$0x2] =	sbarrier.arrive $0xFFFF  }
0xb5: {  	[sflag:s0] =	ssyncadd.tile.s32 @!p0 $0x1;
	_ =	shalt  }
.Lfunc_end2:
_tile_overlayer_lowered:
.L_overlay_start_2:
0xb6: {  	(tag) =	ssettag $0x2  }
0xb7: {  	s0 =	rddreg [dreg:$0x0];
	s2 =	stileid.u32  }
0xb8: {  	s1 =	rddreg [dreg:$0x1];
	p0 =	sne.s32 s2, $0x0  }
0xb9: {  	s3 =	rddreg [dreg:$0x2];
	[bflag:$0x3] =	sbarrier.arrive $0xFFFF;
	s2 =	simm.s32 @!p0 $0x1C03  }
0xba: {  	[timem:s3], [sflag:s2] =	dma.local @!p0 [hbm:s0], s1  }
0xbb: {  	s0 =	simm.s32 @!p0 $0x3  }
0xbc: {  	_ =	swait.ge @!p0 [sflag:s0], s1  }
0xbd: {  	s1 =	ssub.s32 @!p0 $0x0, s1;
	[sflag:s0] =	ssyncset.done @!p0 $0x0  }
0xbe: {  	[sflag:s0] =	ssyncadd.s32 @!p0 s1  }
0xbf: {  	[bflag:$0x3] =	sbarrier.arrive $0xFFFF  }
0xc0: {  	_ =	shalt  }

// kernel: kernel.17.cloned.1.call-start
scs
__scs_entry_jumppad:
0x0: {  	(pc) =	sbr.rel $0x88, $3  }
0x1: {  	(tag) =	ssettag $0x0;
	lr =	simm.s32 $0x1  }
0x2: {  	[smem:$0x3F99] =	sst lr;
	_ =	strace $0xD0000000  }
0x3: {  	_ = 	snop  }
0x4: {  	_ = 	snop  }
0x5: {  	_ = 	snop  }
0x6: {  	_ = 	snop  }
0x7: {  	_ = 	snop  }
__scs_overlays_trampoline_lowered:
0x8: {  	[smem:$0x3FA8] =	sst s0  }
0x9: {  	[smem:$0x3FA9] =	sst s1  }
0xa: {  	[smem:$0x3FAA] =	sst s2  }
0xb: {  	[smem:$0x3FAB] =	sst s3  }
0xc: {  	[smem:$0x3FAC] =	sst s4  }
0xd: {  	[smem:$0x3FAD] =	sst s5  }
0xe: {  	[smem:$0x3FAE] =	sst s6  }
0xf: {  	[smem:$0x3FAF] =	sst s7  }
0x10: {  	[smem:$0x3FB0] =	sst s8  }
0x11: {  	[smem:$0x3FB1] =	sst s9;
	s0 =	simm.s32 @!p0 $0x0  }
0x12: {  	s1 =	sld [smem:$0x3F97];
	s0 =	simm.s32 @p0 $0x1  }
0x13: {  	[smem:$0x3FB2] =	sst s0;
	s0 =	simm.s32 @!p1 $0x0  }
0x14: {  	s2 =	sld [smem:$0x3F96];
	s0 =	simm.s32 @p1 $0x1  }
0x15: {  	[smem:$0x3FB3] =	sst s0;
	s0 =	simm.s32 @!p2 $0x0  }
0x16: {  	s3 =	sld [smem:$0x3FDB];
	s0 =	simm.s32 @p2 $0x1  }
0x17: {  	s4 =	simm.s32 $0x1BF5;
	[smem:$0x3FB5] =	sst s0  }
0x18: {  	s0 =	sld [smem:$0x3F98];
	_ =	swait.ge [sflag:s4], $0x0  }
0x19: {  	s7 =	sld [smem:$0x3F99]  }
0x1a: {  	s8 =	sadd.s32 $0xFFFFE003, lr  }
0x1b: {  	s9 =	sadd.s32 $0xFFFFFEF7, lr;
	s5 =	simm.s32 $0xFFFFFFFF;
	p2 =	slt.u32 s8, $0xFFFFF086  }
0x1c: {  	p1 =	slt.u32 s9, $0xF7A;
	s5 =	simm.s32 @!p2 $0x0  }
0x1d: {  	s5 =	simm.s32 @p1 $0x1;
	p0 =	seq.s32 s7, s2  }
0x1e: {  	s7 =	smul.u32 @!p0 $0xF7A, s2;
	p2 =	seq.s32 @!p0 s5, $0x0  }
0x1f: {  	s9 =	smul.u32 $0xF7A, s1;
	s8 =	simm.s32 @!p0 $0x1BF5;
	p2 =	por !p2, p0  }
0x20: {  	[sflag:s8] =	ssyncset.s32 @!p0 $0xFFFFF086;
	s6 =	sadd.s32 @!p0 s3, s7;
	s7 =	simm.s32 @!p0 $0x108  }
0x21: {  	s3 =	sadd.s32 s3, s9;
	s6 =	sadd.s32 @!p0 $0x88, s6;
	s7 =	simm.s32 @p2 $0x1082  }
0x22: {  	[simem:s7], [sflag:s8] =	dma.local @!p0 [hbm:s6], $0xF7A  }
0x23: {  	s9 =	sor.u32 $0xD0000000, s2;
	s6 =	simm.s32 $0x108;
	_ =	swait.ge @!p0 [sflag:s8], $0x0  }
0x24: {  	s3 =	sadd.s32 $0x88, s3;
	s6 =	simm.s32 @!p1 $0x1082;
	[sflag:s4] =	ssyncset.s32 $0xFFFFF086  }
0x25: {  	[simem:s6], [sflag:s4] =	dma.local [hbm:s3], $0xF7A  }
0x26: {  	[smem:$0x3F99] =	sst s1;
	(tag) =	ssettag s2;
	_ =	strace s9  }
0x27: {  	s1 =	sld [smem:$0x3FA9]  }
0x28: {  	s2 =	sld [smem:$0x3FAA]  }
0x29: {  	s4 =	sld [smem:$0x3FAC]  }
0x2a: {  	p0 =	seq.s32 s5, $0x0;
	s5 =	sld [smem:$0x3FAD]  }
0x2b: {  	s6 =	sld [smem:$0x3FAE]  }
0x2c: {  	s7 =	sld [smem:$0x3FAF]  }
0x2d: {  	s3 =	simm.s32 $0x108;
	s8 =	sld [smem:$0x3FB0]  }
0x2e: {  	s3 =	simm.s32 @!p0 $0x1082;
	s9 =	sld [smem:$0x3FB1]  }
0x2f: {  	lr =	sadd.s32 s0, s3;
	s0 =	sld [smem:$0x3FA8]  }
0x30: {  	s3 =	sld [smem:$0x3FAB]  }
0x31: {  	[smem:$0x3FB4] =	sst s10  }
0x32: {  	s10 =	sld [smem:$0x3FB2];
	_ =	sdelay $0x3  }
0x33: {  	p0 =	seq.s32 s10, $0x1;
	s10 =	sld [smem:$0x3FB4];
	_ =	sdelay $0x3  }
0x34: {  	[smem:$0x3FB4] =	sst s10  }
0x35: {  	s10 =	sld [smem:$0x3FB3];
	_ =	sdelay $0x3  }
0x36: {  	p1 =	seq.s32 s10, $0x1;
	s10 =	sld [smem:$0x3FB4];
	_ =	sdelay $0x3  }
0x37: {  	[smem:$0x3FB4] =	sst s10  }
0x38: {  	s10 =	sld [smem:$0x3FB5]  }
0x39: {  	_ = 	snop;
	(pc) =	sbr.ind lr, $3  }
0x3a: {  	_ = 	snop  }
0x3b: {  	_ = 	snop  }
0x3c: {  	p2 =	seq.s32 s10, $0x1;
	s10 =	sld [smem:$0x3FB4]  }
0x3d: {  	_ =	shalt  }
0x3e: {  	_ =	shalt  }
0x3f: {  	_ =	shalt  }
0x40: {  	_ =	shalt  }
0x41: {  	_ =	shalt  }
0x42: {  	_ =	shalt  }
0x43: {  	_ =	shalt  }
0x44: {  	_ =	shalt  }
0x45: {  	_ =	shalt  }
0x46: {  	_ =	shalt  }
0x47: {  	_ =	shalt  }
0x48: {  	_ =	shalt  }
0x49: {  	_ =	shalt  }
0x4a: {  	_ =	shalt  }
0x4b: {  	_ =	shalt  }
0x4c: {  	_ =	shalt  }
0x4d: {  	_ =	shalt  }
0x4e: {  	_ =	shalt  }
0x4f: {  	_ =	shalt  }
0x50: {  	_ =	shalt  }
0x51: {  	_ =	shalt  }
0x52: {  	_ =	shalt  }
0x53: {  	_ =	shalt  }
0x54: {  	_ =	shalt  }
0x55: {  	_ =	shalt  }
0x56: {  	_ =	shalt  }
0x57: {  	_ =	shalt  }
0x58: {  	_ =	shalt  }
0x59: {  	_ =	shalt  }
0x5a: {  	_ =	shalt  }
0x5b: {  	_ =	shalt  }
0x5c: {  	_ =	shalt  }
0x5d: {  	_ =	shalt  }
0x5e: {  	_ =	shalt  }
0x5f: {  	_ =	shalt  }
0x60: {  	_ =	shalt  }
0x61: {  	_ =	shalt  }
0x62: {  	_ =	shalt  }
0x63: {  	_ =	shalt  }
0x64: {  	_ =	shalt  }
0x65: {  	_ =	shalt  }
0x66: {  	_ =	shalt  }
0x67: {  	_ =	shalt  }
0x68: {  	_ =	shalt  }
0x69: {  	_ =	shalt  }
0x6a: {  	_ =	shalt  }
0x6b: {  	_ =	shalt  }
0x6c: {  	_ =	shalt  }
0x6d: {  	_ =	shalt  }
0x6e: {  	_ =	shalt  }
0x6f: {  	_ =	shalt  }
0x70: {  	_ =	shalt  }
0x71: {  	_ =	shalt  }
0x72: {  	_ =	shalt  }
0x73: {  	_ =	shalt  }
0x74: {  	_ =	shalt  }
0x75: {  	_ =	shalt  }
0x76: {  	_ =	shalt  }
0x77: {  	_ =	shalt  }
0x78: {  	_ =	shalt  }
0x79: {  	_ =	shalt  }
0x7a: {  	_ =	shalt  }
0x7b: {  	_ =	shalt  }
0x7c: {  	_ =	shalt  }
0x7d: {  	_ =	shalt  }
0x7e: {  	_ =	shalt  }
0x7f: {  	_ =	shalt  }
0x80: {  	_ =	shalt  }
0x81: {  	_ =	shalt  }
0x82: {  	_ =	shalt  }
0x83: {  	_ =	shalt  }
0x84: {  	_ =	shalt  }
0x85: {  	_ =	shalt  }
0x86: {  	_ =	shalt  }
0x87: {  	_ =	shalt  }
.Lfunc_end0:
.L_simem_size_0:
called_computation.2_lowered:
.L_overlay_start_0:
0x88: {  	s2 =	sld [smem:$0x3FD9]  }
0x89: {  	s3 =	sld [smem:$0x3FFE];
	_ =	sdelay $0x1  }
0x8a: {  	s1 =	srdreg.scid  }
0x8b: {  	s0 =	sand.u32 $0x1, s1  }
0x8c: {  	s16 =	sshll.u32 s0, $0xA;
	s2 =	sadd.s32 s3, s2  }
0x8d: {  	s2 =	sadd.s32 s2, s16  }
0x8e: {  	[smem:$0x3FC0] =	sst s2  }
0x8f: {  	_ = 	snop  }
0x90: {  	(tm) =	ssettm $0x1  }
0x91: {  	s17 =	sld [smem:$0x3FFB];
	_ =	sdelay $0x3  }
0x92: {  	_ =	strace s17  }
0x93: {  	s2 =	sld [smem:$0x3FFC];
	_ =	sdelay $0x3  }
0x94: {  	_ =	strace s2  }
0x95: {  	s2 =	sld [smem:$0x3FFD];
	_ =	sdelay $0x3  }
0x96: {  	_ =	strace s2  }
0x97: {  	_ =	strace $0x8FFFFFFF  }
0x98: {  	s18 =	sld [smem:$0x3FDB];
	_ =	sdelay $0x1  }
0x99: {  	s19 =	simm.s32 $_scs_section_size  }
0x9a: {  	s4 =	simm.s32 $_size__tile_overlayer_lowered;
	s5 =	simm.s32 $_tile_overlayer_lowered  }
0x9b: {  	s22 =	simm.s32 $0x1BFF;
	s21 =	sshll.u32 s5, $0x1;
	s2 =	sadd.s32 s19, s18  }
0x9c: {  	s6 =	simm.s32 $0x0;
	s20 =	sshll.u32 s4, $0x1;
	s4 =	sadd.s32 s21, s2  }
0x9d: {  	[timem:s6], [sflag:s22] =	dma.local [hbm:s4], s20  }
0x9e: {  	_ =	swait.ge [sflag:s22], s20  }
0x9f: {  	s3 =	ssub.s32 $0x0, s20;
	[sflag:s22] =	ssyncset.done $0x0  }
0xa0: {  	[sflag:s22] =	ssyncadd.s32 s3;
	_ =	sdelay $0x1  }
0xa1: {  	s23 =	simm.s32 $0x1B8B  }
0xa2: {  	_ =	swait.ge [sflag:s23], $0x1  }
0xa3: {  	[sflag:s23] =	ssyncset.done $0x0  }
0xa4: {  	s25 =	simm.s32 $0x1B8E;
	s24 =	sld [smem:$0x3FFE];
	[sflag:s23] =	ssyncadd.s32 $0xFFFFFFFF  }
0xa5: {  	s26 =	simm.s32 $execute0_lowered;
	[smem:$0x3FD2] =	sst s25  }
0xa6: {  	s4 =	sshll.u32 s26, $0x1;
	_ =	strace $0x8000004C;
	[dreg:$0x1] =	wrdreg $0xFFFFFFFF  }
0xa7: {  	s28 =	simm.s32 $_size_execute0_lowered;
	s2 =	sadd.s32 s2, s4;
	[dreg:$0x0] =	wrdreg $0x0  }
0xa8: {  	s4 =	sshll.u32 s28, $0x1;
	[dreg:$0x2] =	wrdreg s2  }
0xa9: {  	[dreg:$0x3] =	wrdreg s4  }
0xaa: {  	[dreg:$0x4] =	wrdreg $0xC0  }
0xab: {  	_ =	task [dreg:s6], $0x5FFFF  }
0xac: {  	[dreg:$0x1] =	wrdreg $0xFFFFFFFF  }
0xad: {  	[dreg:$0x0] =	wrdreg $0x60  }
0xae: {  	[dreg:$0x2] =	wrdreg s24  }
0xaf: {  	[dreg:$0x3] =	wrdreg $0xA8000  }
0xb0: {  	[dreg:$0x4] =	wrdreg $0x9  }
0xb1: {  	_ =	task.clear_ibuf [dreg:s6], $0x5FFFF;
	_ =	strace $0x9000004C  }
0xb2: {  	s29 =	simm.s32 $0x9;
	_ =	strace $0x8000004E  }
0xb3: {  	_ =	swait.ge [sflag:s29], $0x1  }
0xb4: {  	[sflag:s29] =	ssyncadd.s32 $0xFFFFFFFF  }
0xb5: {  	_ =	strace $0x9000004E  }
0xb6: {  	_ =	sfence  }
0xb7: {  	s30 =	sld [smem:$0x0];
	_ =	sdelay $0x2  }
0xb8: {  	s31 =	sshll.u32 s1, $0xD;
	s1 =	sshrl.u32 s1, $0x2  }
0xb9: {  	s3 =	sand.u32 $0x4000, s31;
	s1 =	sadd.s32 s1, s30  }
0xba: {  	s0 =	sor.u32 s3, s0;
	s1 =	sshll.u32 s1, $0x11  }
0xbb: {  	s0 =	sor.u32 s1, s0  }
0xbc: {  	s0 =	sadd.s32 $0x8F2B, s0  }
0xbd: {  	[sflag:s0] =	ssyncadd.remote.s32 $0x1  }
0xbe: {  	_ =	sfence.sel $0xFFFF  }
0xbf: {  	[dreg:$0x0] =	wrdreg $0xFFFFFFFF;
	(pc) =	sbr.abs _section_cstart, $3  }
0xc0: {  	[dreg:$0x1] =	wrdreg $0xFFFFFFFF  }
0xc1: {  	_ =	task.clear_ibuf [dreg:s6], $0x2FFFF;
	_ =	strace $0x9FFFFFFF  }
0xc2: {  	(tm) =	ssettm $0x7FFFFFFF  }
0xc3: {  	_ =	shalt  }
tec
execute0_lowered:
.L_overlay_start_1:
0x0: {  	(tag) =	ssettag $0x1  }
0x1: {  	s7 =	rddreg [dreg:$0x0]  }
0x2: {  	s0 =	srdreg.scid;
	s2 =	rddreg [dreg:$0x1]  }
0x3: {  	s3 =	simm.s32 $0x0;
	s15 =	simm.s32 $0x1400;
	s16 =	simm.s32 $0x80  }
0x4: {  	s17 =	simm.s32 $0x2800;
	s6 =	sand.u32 $0x1, s0;
	s0 =	stileid.u32  }
0x5: {  	s18 =	simm.s32 $0x6800;
	s19 =	simm.s32 $0x1;
	s8 =	smul.u32 $0x500, s0  }
0x6: {  	s20 =	simm.s32 $0x2;
	s21 =	simm.s32 $0x1380;
	s9 =	smul.u32 $0x28000, s6  }
0x7: {  	s22 =	simm.s32 $0x2700;
	s23 =	simm.s32 $0x2780;
	s25 =	smul.u32 $0x2800, s0  }
0x8: {  	[smem:$0x7FF] =	sst s3;
	s1 =	sshll.u32 s6, $0x4;
	s10 =	smul.u32 $0x51000, s0  }
0x9: {  	s6 =	ssub.s32 $0x2, s6;
	s13 =	smul.u32 $0x50000, s0;
	s30 =	sshll.u32 s0, $0x6  }
0xa: {  	s4 =	sor.u32 s0, s1;
	s1 =	rddreg [dreg:$0x2];
	_ =	strace $0x8000004D  }
0xb: {  	s26 =	sshrl.u32 s6, $0x1;
	s5 =	smul.u32 $0x500, s4;
	s4 =	sadd.s32 $0x5800, s7  }
0xc: {  	s12 =	sadd.s32 s8, s7;
	s8 =	sadd.s32 s25, s9;
	s28 =	ssub.s32 s6, s26  }
0xd: {  	s29 =	sshrl.u32 s10, $0x2;
	s31 =	sshrl.u32 s13, $0x2;
	s6 =	sor.u32 $0x1C03, s30  }
0xe: {  	s25 =	simm.s32 $0x0;
	s14 =	sadd.s32 s29, s2;
	s24 =	sadd.s32 s31, s2  }
0xf: {  	s10 =	sadd.s32 $0x55800, s12;
	s12 =	sadd.s32 $0x55A80, s12;
	s11 =	sadd.s32 s5, s7  }
0x10: {  	s5 =	sadd.s32 $0x2E00, s7;
	s7 =	sadd.s32 s8, s7;
	s8 =	smax.u32 s28, $0x1  }
0x11: {  	s13 =	sshrl.u32 s14, $0x3;
	s14 =	simm.s32 $0x3;
	s24 =	sshrl.u32 s24, $0x3  }
0x12: {  	s7 =	sadd.s32 $0x64800, s7;
	s9 =	sadd.s32 $0x5A800, s11;
	s11 =	sadd.s32 $0x5AA80, s11  }
.LBB2_1:
0x13: {  	[spmem:s13], [sflag:s6] =	dma.local [hbm:s5], $0x2880  }
0x14: {  	_ =	swait.ge [sflag:s14], $0x2880  }
0x15: {  	[sflag:s14] =	ssyncset.done $0x0  }
0x16: {  	[sflag:s14] =	ssyncadd.s32 $0xFFFFD780  }
0x17: {  	[bflag:$0x0] =	sbarrier.arrive $0xFFFF  }
0x18: {  	[tilespmem:s3], [sflag:$0x3] =	stream.linear.gather [hbm4b:s9+s3], $0x1400, $0x38;
	[tilespmem:$0x1EC00] =	vst v63  }
0x19: {  	_ =	swait.ge [sflag:s14], $0x1400  }
0x1a: {  	[sflag:s14] =	ssyncset.done $0x0  }
0x1b: {  	[sflag:s14] =	ssyncadd.s32 $0xFFFFEC00  }
0x1c: {  	[tilespmem:s15], [sflag:$0x3] =	stream.linear.gather [hbm4b:s10+s3], $0x1400, $0x38;
	[tilespmem:$0x1EC00] =	vst v63  }
0x1d: {  	_ =	swait.ge [sflag:s14], $0x1400  }
0x1e: {  	[sflag:s14] =	ssyncset.done $0x0  }
0x1f: {  	[sflag:s14] =	ssyncadd.s32 $0xFFFFEC00  }
0x20: {  	[tilespmem:s17], [sflag:$0x1] =	stream.indirect.gather [hbm4b:s4+s16], $0x80, s3, s16, $0xb8;
	[tilespmem:$0x1EC00] =	vst v63  }
0x21: {  	s26 =	simm.s32 $0x80  }
0x22: {  	[tilespmem:s18], [sflag:$0x2] =	stream.indirect.gather [hbm4b:s4+s16], $0x80, s26, s16, $0xb8;
	[tilespmem:$0x1EC00] =	vst v63  }
0x23: {  	_ =	swait.ge [sflag:s19], $0x4000  }
0x24: {  	[sflag:s19] =	ssyncset.done $0x0  }
0x25: {  	s29 =	simm.s32 $0x1400;
	[sflag:s19] =	ssyncadd.s32 $0xFFFFC000  }
0x26: {  	[spmem:s2] =	stream.indirect.scatter.add.f32 [tilespmem:s17], [sflag:$0x3], $0x80, s29, s16, $0xb8;
	[tilespmem:$0x1EC00] =	vst v63  }
0x27: {  	_ =	swait.ge [sflag:s14], $0x4000  }
0x28: {  	[sflag:s14] =	ssyncset.done $0x0  }
0x29: {  	s30 =	simm.s32 $0x100;
	[sflag:s14] =	ssyncadd.s32 $0xFFFFC000  }
0x2a: {  	[tilespmem:s17], [sflag:$0x1] =	stream.indirect.gather [hbm4b:s4+s16], $0x80, s30, s16, $0xb8;
	[tilespmem:$0x1EC00] =	vst v63  }
0x2b: {  	_ =	swait.ge [sflag:s20], $0x4000  }
0x2c: {  	[sflag:s20] =	ssyncset.done $0x0  }
0x2d: {  	s31 =	simm.s32 $0x1480;
	[sflag:s20] =	ssyncadd.s32 $0xFFFFC000  }
0x2e: {  	[spmem:s2] =	stream.indirect.scatter.add.f32 [tilespmem:s18], [sflag:$0x3], $0x80, s31, s16, $0xb8;
	[tilespmem:$0x1EC00] =	vst v63  }
0x2f: {  	_ =	swait.ge [sflag:s14], $0x4000  }
0x30: {  	s28 =	simm.s32 $0x800;
	s26 =	simm.s32 $0x100;
	[sflag:s14] =	ssyncset.done $0x0  }
.LBB2_2:
0x31: {  	s29 =	sadd.s32 $0x80, s26  }
0x32: {  	[sflag:s14] =	ssyncadd.s32 $0xFFFFC000;
	s30 =	smov.u32 s28;
	s31 =	sadd.s32 $0x400, s28  }
0x33: {  	[tilespmem:s18], [sflag:$0x2] =	stream.indirect.gather [hbm4b:s4+s16], $0x80, s29, s16, $0xb8;
	[tilespmem:$0x1EC00] =	vst v63  }
0x34: {  	p0 =	sne.s32 s28, $0x4800;
	_ =	swait.ge [sflag:s19], $0x4000  }
0x35: {  	[sflag:s19] =	ssyncset.done $0x0  }
0x36: {  	s28 =	sadd.s32 $0x1400, s26;
	[sflag:s19] =	ssyncadd.s32 $0xFFFFC000  }
0x37: {  	[spmem:s2] =	stream.indirect.scatter.add.f32 [tilespmem:s17], [sflag:$0x3], $0x80, s28, s16, $0xb8;
	[tilespmem:$0x1EC00] =	vst v63  }
0x38: {  	_ =	swait.ge [sflag:s14], $0x4000  }
0x39: {  	[sflag:s14] =	ssyncset.done $0x0  }
0x3a: {  	s28 =	sadd.s32 $0x100, s26;
	[sflag:s14] =	ssyncadd.s32 $0xFFFFC000  }
0x3b: {  	[tilespmem:s17], [sflag:$0x1] =	stream.indirect.gather [hbm4b:s4+s16], $0x80, s28, s16, $0xb8;
	[tilespmem:$0x1EC00] =	vst v63  }
0x3c: {  	_ =	swait.ge [sflag:s20], $0x4000  }
.Ltmp0:
0x3d: {  	[sflag:s20] =	ssyncset.done $0x0;
	(pc) =	sbr.rel @p0 .LBB2_2-.Ltmp0, $4  }
0x3e: {  	s26 =	sadd.s32 $0x1480, s26;
	[sflag:s20] =	ssyncadd.s32 $0xFFFFC000  }
0x3f: {  	[spmem:s2] =	stream.indirect.scatter.add.f32 [tilespmem:s18], [sflag:$0x3], $0x80, s26, s16, $0xb8;
	[tilespmem:$0x1EC00] =	vst v63  }
0x40: {  	_ =	swait.ge [sflag:s14], $0x4000  }
0x41: {  	s28 =	smov.u32 s31;
	s26 =	sshra.s32 s30, $0x2;
	[sflag:s14] =	ssyncset.done $0x0  }
0x42: {  	s28 =	sadd.s32 $0x80, s26;
	[sflag:s14] =	ssyncadd.s32 $0xFFFFC000  }
0x43: {  	[tilespmem:s18], [sflag:$0x2] =	stream.indirect.gather [hbm4b:s4+s16], $0x80, s28, s16, $0xb8;
	[tilespmem:$0x1EC00] =	vst v63  }
0x44: {  	_ =	swait.ge [sflag:s19], $0x4000  }
0x45: {  	[sflag:s19] =	ssyncset.done $0x0  }
0x46: {  	s28 =	sadd.s32 $0x1400, s26;
	[sflag:s19] =	ssyncadd.s32 $0xFFFFC000  }
0x47: {  	[spmem:s2] =	stream.indirect.scatter.add.f32 [tilespmem:s17], [sflag:$0x3], $0x80, s28, s16, $0xb8;
	[tilespmem:$0x1EC00] =	vst v63  }
0x48: {  	_ =	swait.ge [sflag:s14], $0x4000  }
0x49: {  	[sflag:s14] =	ssyncset.done $0x0  }
0x4a: {  	s28 =	sadd.s32 $0x100, s26;
	[sflag:s14] =	ssyncadd.s32 $0xFFFFC000  }
0x4b: {  	[tilespmem:s17], [sflag:$0x1] =	stream.indirect.gather [hbm4b:s4+s16], $0x80, s28, s16, $0xb8;
	[tilespmem:$0x1EC00] =	vst v63  }
0x4c: {  	_ =	swait.ge [sflag:s20], $0x4000  }
0x4d: {  	[sflag:s20] =	ssyncset.done $0x0  }
0x4e: {  	s29 =	sadd.s32 $0x1480, s26;
	[sflag:s20] =	ssyncadd.s32 $0xFFFFC000  }
0x4f: {  	[spmem:s2] =	stream.indirect.scatter.add.f32 [tilespmem:s18], [sflag:$0x3], $0x80, s29, s16, $0xb8;
	[tilespmem:$0x1EC00] =	vst v63  }
0x50: {  	_ =	swait.ge [sflag:s14], $0x4000  }
0x51: {  	[sflag:s14] =	ssyncset.done $0x0  }
0x52: {  	[sflag:s14] =	ssyncadd.s32 $0xFFFFC000  }
0x53: {  	[tilespmem:s18], [sflag:$0x2] =	stream.indirect.gather [hbm4b:s4+s16], $0x80, s21, s16, $0xb8;
	[tilespmem:$0x1EC00] =	vst v63  }
0x54: {  	_ =	swait.ge [sflag:s19], $0x4000  }
0x55: {  	[sflag:s19] =	ssyncset.done $0x0  }
0x56: {  	[sflag:s19] =	ssyncadd.s32 $0xFFFFC000  }
0x57: {  	[spmem:s2] =	stream.indirect.scatter.add.f32 [tilespmem:s17], [sflag:$0x3], $0x80, s22, s16, $0xb8;
	[tilespmem:$0x1EC00] =	vst v63  }
0x58: {  	_ =	swait.ge [sflag:s14], $0x4000  }
0x59: {  	[sflag:s14] =	ssyncset.done $0x0  }
0x5a: {  	[sflag:s14] =	ssyncadd.s32 $0xFFFFC000  }
0x5b: {  	_ =	swait.ge [sflag:s20], $0x4000  }
0x5c: {  	[sflag:s20] =	ssyncset.done $0x0  }
0x5d: {  	[sflag:s20] =	ssyncadd.s32 $0xFFFFC000  }
0x5e: {  	[spmem:s2] =	stream.indirect.scatter.add.f32 [tilespmem:s18], [sflag:$0x3], $0x80, s23, s16, $0xb8;
	[tilespmem:$0x1EC00] =	vst v63  }
0x5f: {  	_ =	swait.ge [sflag:s14], $0x4000  }
0x60: {  	[sflag:s14] =	ssyncset.done $0x0  }
0x61: {  	s30 =	simm.s32 $0x0;
	[sflag:s14] =	ssyncadd.s32 $0xFFFFC000  }
0x62: {  	[tilespmem:s30], [sflag:$0x3] =	stream.linear.gather [hbm4b:s11+s30], $0x1400, $0x38;
	[tilespmem:$0x1EC00] =	vst v63  }
0x63: {  	_ =	swait.ge [sflag:s14], $0x1400  }
0x64: {  	[sflag:s14] =	ssyncset.done $0x0  }
0x65: {  	[sflag:s14] =	ssyncadd.s32 $0xFFFFEC00  }
0x66: {  	[tilespmem:s15], [sflag:$0x3] =	stream.linear.gather [hbm4b:s12+s30], $0x1400, $0x38;
	[tilespmem:$0x1EC00] =	vst v63  }
0x67: {  	_ =	swait.ge [sflag:s14], $0x1400  }
0x68: {  	[sflag:s14] =	ssyncset.done $0x0  }
0x69: {  	[sflag:s14] =	ssyncadd.s32 $0xFFFFEC00  }
0x6a: {  	[tilespmem:s17], [sflag:$0x1] =	stream.indirect.gather [hbm4b:s4+s16], $0x80, s30, s16, $0xb8;
	[tilespmem:$0x1EC00] =	vst v63  }
0x6b: {  	s31 =	simm.s32 $0x80  }
0x6c: {  	[tilespmem:s18], [sflag:$0x2] =	stream.indirect.gather [hbm4b:s4+s16], $0x80, s31, s16, $0xb8;
	[tilespmem:$0x1EC00] =	vst v63  }
0x6d: {  	_ =	swait.ge [sflag:s19], $0x4000  }
0x6e: {  	[sflag:s19] =	ssyncset.done $0x0  }
0x6f: {  	s29 =	simm.s32 $0x1400;
	[sflag:s19] =	ssyncadd.s32 $0xFFFFC000  }
0x70: {  	[spmem:s2] =	stream.indirect.scatter.add.f32 [tilespmem:s17], [sflag:$0x3], $0x80, s29, s16, $0xb8;
	[tilespmem:$0x1EC00] =	vst v63  }
0x71: {  	_ =	swait.ge [sflag:s14], $0x4000  }
0x72: {  	[sflag:s14] =	ssyncset.done $0x0  }
0x73: {  	s30 =	simm.s32 $0x100;
	[sflag:s14] =	ssyncadd.s32 $0xFFFFC000  }
0x74: {  	[tilespmem:s17], [sflag:$0x1] =	stream.indirect.gather [hbm4b:s4+s16], $0x80, s30, s16, $0xb8;
	[tilespmem:$0x1EC00] =	vst v63  }
0x75: {  	_ =	swait.ge [sflag:s20], $0x4000  }
0x76: {  	[sflag:s20] =	ssyncset.done $0x0  }
0x77: {  	s31 =	simm.s32 $0x1480;
	[sflag:s20] =	ssyncadd.s32 $0xFFFFC000  }
0x78: {  	[spmem:s2] =	stream.indirect.scatter.add.f32 [tilespmem:s18], [sflag:$0x3], $0x80, s31, s16, $0xb8;
	[tilespmem:$0x1EC00] =	vst v63  }
0x79: {  	_ =	swait.ge [sflag:s14], $0x4000  }
0x7a: {  	s26 =	simm.s32 $0x100;
	s28 =	simm.s32 $0x800;
	[sflag:s14] =	ssyncset.done $0x0  }
.LBB2_4:
0x7b: {  	s29 =	sadd.s32 $0x80, s26  }
0x7c: {  	[sflag:s14] =	ssyncadd.s32 $0xFFFFC000;
	s30 =	smov.u32 s28;
	s31 =	sadd.s32 $0x400, s28  }
0x7d: {  	[tilespmem:s18], [sflag:$0x2] =	stream.indirect.gather [hbm4b:s4+s16], $0x80, s29, s16, $0xb8;
	[tilespmem:$0x1EC00] =	vst v63  }
0x7e: {  	p0 =	sne.s32 s28, $0x4800;
	_ =	swait.ge [sflag:s19], $0x4000  }
0x7f: {  	[sflag:s19] =	ssyncset.done $0x0  }
0x80: {  	s28 =	sadd.s32 $0x1400, s26;
	[sflag:s19] =	ssyncadd.s32 $0xFFFFC000  }
0x81: {  	[spmem:s2] =	stream.indirect.scatter.add.f32 [tilespmem:s17], [sflag:$0x3], $0x80, s28, s16, $0xb8;
	[tilespmem:$0x1EC00] =	vst v63  }
0x82: {  	_ =	swait.ge [sflag:s14], $0x4000  }
0x83: {  	[sflag:s14] =	ssyncset.done $0x0  }
0x84: {  	s28 =	sadd.s32 $0x100, s26;
	[sflag:s14] =	ssyncadd.s32 $0xFFFFC000  }
0x85: {  	[tilespmem:s17], [sflag:$0x1] =	stream.indirect.gather [hbm4b:s4+s16], $0x80, s28, s16, $0xb8;
	[tilespmem:$0x1EC00] =	vst v63  }
0x86: {  	_ =	swait.ge [sflag:s20], $0x4000  }
.Ltmp1:
0x87: {  	[sflag:s20] =	ssyncset.done $0x0;
	(pc) =	sbr.rel @p0 .LBB2_4-.Ltmp1, $4  }
0x88: {  	s26 =	sadd.s32 $0x1480, s26;
	[sflag:s20] =	ssyncadd.s32 $0xFFFFC000  }
0x89: {  	[spmem:s2] =	stream.indirect.scatter.add.f32 [tilespmem:s18], [sflag:$0x3], $0x80, s26, s16, $0xb8;
	[tilespmem:$0x1EC00] =	vst v63  }
0x8a: {  	_ =	swait.ge [sflag:s14], $0x4000  }
0x8b: {  	s28 =	smov.u32 s31;
	s26 =	sshra.s32 s30, $0x2;
	[sflag:s14] =	ssyncset.done $0x0  }
0x8c: {  	s28 =	sadd.s32 $0x80, s26;
	[sflag:s14] =	ssyncadd.s32 $0xFFFFC000  }
0x8d: {  	[tilespmem:s18], [sflag:$0x2] =	stream.indirect.gather [hbm4b:s4+s16], $0x80, s28, s16, $0xb8;
	[tilespmem:$0x1EC00] =	vst v63  }
0x8e: {  	_ =	swait.ge [sflag:s19], $0x4000  }
0x8f: {  	[sflag:s19] =	ssyncset.done $0x0  }
0x90: {  	s29 =	sadd.s32 $0x1400, s26;
	[sflag:s19] =	ssyncadd.s32 $0xFFFFC000  }
0x91: {  	[spmem:s2] =	stream.indirect.scatter.add.f32 [tilespmem:s17], [sflag:$0x3], $0x80, s29, s16, $0xb8;
	[tilespmem:$0x1EC00] =	vst v63  }
0x92: {  	_ =	swait.ge [sflag:s14], $0x4000  }
0x93: {  	[sflag:s14] =	ssyncset.done $0x0  }
0x94: {  	s30 =	sadd.s32 $0x100, s26;
	[sflag:s14] =	ssyncadd.s32 $0xFFFFC000  }
0x95: {  	[tilespmem:s17], [sflag:$0x1] =	stream.indirect.gather [hbm4b:s4+s16], $0x80, s30, s16, $0xb8;
	[tilespmem:$0x1EC00] =	vst v63  }
0x96: {  	_ =	swait.ge [sflag:s20], $0x4000  }
0x97: {  	[sflag:s20] =	ssyncset.done $0x0  }
0x98: {  	s31 =	sadd.s32 $0x1480, s26;
	[sflag:s20] =	ssyncadd.s32 $0xFFFFC000  }
0x99: {  	[spmem:s2] =	stream.indirect.scatter.add.f32 [tilespmem:s18], [sflag:$0x3], $0x80, s31, s16, $0xb8;
	[tilespmem:$0x1EC00] =	vst v63  }
0x9a: {  	_ =	swait.ge [sflag:s14], $0x4000  }
0x9b: {  	[sflag:s14] =	ssyncset.done $0x0  }
0x9c: {  	[sflag:s14] =	ssyncadd.s32 $0xFFFFC000  }
0x9d: {  	[tilespmem:s18], [sflag:$0x2] =	stream.indirect.gather [hbm4b:s4+s16], $0x80, s21, s16, $0xb8;
	[tilespmem:$0x1EC00] =	vst v63  }
0x9e: {  	_ =	swait.ge [sflag:s19], $0x4000  }
0x9f: {  	[sflag:s19] =	ssyncset.done $0x0  }
0xa0: {  	[sflag:s19] =	ssyncadd.s32 $0xFFFFC000  }
0xa1: {  	[spmem:s2] =	stream.indirect.scatter.add.f32 [tilespmem:s17], [sflag:$0x3], $0x80, s22, s16, $0xb8;
	[tilespmem:$0x1EC00] =	vst v63  }
0xa2: {  	_ =	swait.ge [sflag:s14], $0x4000  }
0xa3: {  	[sflag:s14] =	ssyncset.done $0x0  }
0xa4: {  	[sflag:s14] =	ssyncadd.s32 $0xFFFFC000  }
0xa5: {  	_ =	swait.ge [sflag:s20], $0x4000  }
0xa6: {  	[sflag:s20] =	ssyncset.done $0x0  }
0xa7: {  	[sflag:s20] =	ssyncadd.s32 $0xFFFFC000  }
0xa8: {  	[spmem:s2] =	stream.indirect.scatter.add.f32 [tilespmem:s18], [sflag:$0x3], $0x80, s23, s16, $0xb8;
	[tilespmem:$0x1EC00] =	vst v63  }
0xa9: {  	_ =	swait.ge [sflag:s14], $0x4000  }
0xaa: {  	s25 =	sadd.s32 $0x1, s25;
	[sflag:s14] =	ssyncset.done $0x0  }
0xab: {  	p0 =	sne.s32 s25, s8;
	[sflag:s14] =	ssyncadd.s32 $0xFFFFC000  }
.Ltmp2:
0xac: {  	[bflag:$0x0] =	sbarrier.arrive $0xFFFF;
	(pc) =	sbr.rel @p0 .LBB2_1-.Ltmp2, $4  }
0xad: {  	[hbm:s7], [sflag:s6] =	dma.local [spmem:s24], $0x2800  }
0xae: {  	_ =	swait.ge [sflag:s14], $0x2800  }
0xaf: {  	[sflag:s14] =	ssyncset.done $0x0  }
0xb0: {  	[sflag:s14] =	ssyncadd.s32 $0xFFFFD800  }
0xb1: {  	_ =	sfence.sel $0x180000  }
0xb2: {  	[bflag:$0x0] =	sbarrier.arrive $0xFFFF  }
0xb3: {  	p0 =	sne.s32 s0, $0x0;
	_ =	strace $0x9000004D  }
0xb4: {  	s0 =	sadd.s32 @!p0 $0x100000, s1;
	[bflag:$0x2] =	sbarrier.arrive $0xFFFF  }
0xb5: {  	[sflag:s0] =	ssyncadd.tile.s32 @!p0 $0x1;
	_ =	shalt  }
.Lfunc_end2:
_tile_overlayer_lowered:
.L_overlay_start_2:
0xb6: {  	(tag) =	ssettag $0x2  }
0xb7: {  	s0 =	rddreg [dreg:$0x0];
	s2 =	stileid.u32  }
0xb8: {  	s1 =	rddreg [dreg:$0x1];
	p0 =	sne.s32 s2, $0x0  }
0xb9: {  	s3 =	rddreg [dreg:$0x2];
	[bflag:$0x3] =	sbarrier.arrive $0xFFFF;
	s2 =	simm.s32 @!p0 $0x1C03  }
0xba: {  	[timem:s3], [sflag:s2] =	dma.local @!p0 [hbm:s0], s1  }
0xbb: {  	s0 =	simm.s32 @!p0 $0x3  }
0xbc: {  	_ =	swait.ge @!p0 [sflag:s0], s1  }
0xbd: {  	s1 =	ssub.s32 @!p0 $0x0, s1;
	[sflag:s0] =	ssyncset.done @!p0 $0x0  }
0xbe: {  	[sflag:s0] =	ssyncadd.s32 @!p0 s1  }
0xbf: {  	[bflag:$0x3] =	sbarrier.arrive $0xFFFF  }
0xc0: {  	_ =	shalt  }

// kernel: kernel.20.cloned.1.call-start
scs
__scs_entry_jumppad:
0x0: {  	(pc) =	sbr.rel $0x88, $3  }
0x1: {  	(tag) =	ssettag $0x0;
	lr =	simm.s32 $0x1  }
0x2: {  	[smem:$0x3F99] =	sst lr;
	_ =	strace $0xD0000000  }
0x3: {  	_ = 	snop  }
0x4: {  	_ = 	snop  }
0x5: {  	_ = 	snop  }
0x6: {  	_ = 	snop  }
0x7: {  	_ = 	snop  }
__scs_overlays_trampoline_lowered:
0x8: {  	[smem:$0x3FA8] =	sst s0  }
0x9: {  	[smem:$0x3FA9] =	sst s1  }
0xa: {  	[smem:$0x3FAA] =	sst s2  }
0xb: {  	[smem:$0x3FAB] =	sst s3  }
0xc: {  	[smem:$0x3FAC] =	sst s4  }
0xd: {  	[smem:$0x3FAD] =	sst s5  }
0xe: {  	[smem:$0x3FAE] =	sst s6  }
0xf: {  	[smem:$0x3FAF] =	sst s7  }
0x10: {  	[smem:$0x3FB0] =	sst s8  }
0x11: {  	[smem:$0x3FB1] =	sst s9;
	s0 =	simm.s32 @!p0 $0x0  }
0x12: {  	s1 =	sld [smem:$0x3F97];
	s0 =	simm.s32 @p0 $0x1  }
0x13: {  	[smem:$0x3FB2] =	sst s0;
	s0 =	simm.s32 @!p1 $0x0  }
0x14: {  	s2 =	sld [smem:$0x3F96];
	s0 =	simm.s32 @p1 $0x1  }
0x15: {  	[smem:$0x3FB3] =	sst s0;
	s0 =	simm.s32 @!p2 $0x0  }
0x16: {  	s3 =	sld [smem:$0x3FDB];
	s0 =	simm.s32 @p2 $0x1  }
0x17: {  	s4 =	simm.s32 $0x1BF5;
	[smem:$0x3FB5] =	sst s0  }
0x18: {  	s0 =	sld [smem:$0x3F98];
	_ =	swait.ge [sflag:s4], $0x0  }
0x19: {  	s7 =	sld [smem:$0x3F99]  }
0x1a: {  	s8 =	sadd.s32 $0xFFFFE003, lr  }
0x1b: {  	s9 =	sadd.s32 $0xFFFFFEF7, lr;
	s5 =	simm.s32 $0xFFFFFFFF;
	p2 =	slt.u32 s8, $0xFFFFF086  }
0x1c: {  	p1 =	slt.u32 s9, $0xF7A;
	s5 =	simm.s32 @!p2 $0x0  }
0x1d: {  	s5 =	simm.s32 @p1 $0x1;
	p0 =	seq.s32 s7, s2  }
0x1e: {  	s7 =	smul.u32 @!p0 $0xF7A, s2;
	p2 =	seq.s32 @!p0 s5, $0x0  }
0x1f: {  	s9 =	smul.u32 $0xF7A, s1;
	s8 =	simm.s32 @!p0 $0x1BF5;
	p2 =	por !p2, p0  }
0x20: {  	[sflag:s8] =	ssyncset.s32 @!p0 $0xFFFFF086;
	s6 =	sadd.s32 @!p0 s3, s7;
	s7 =	simm.s32 @!p0 $0x108  }
0x21: {  	s3 =	sadd.s32 s3, s9;
	s6 =	sadd.s32 @!p0 $0x88, s6;
	s7 =	simm.s32 @p2 $0x1082  }
0x22: {  	[simem:s7], [sflag:s8] =	dma.local @!p0 [hbm:s6], $0xF7A  }
0x23: {  	s9 =	sor.u32 $0xD0000000, s2;
	s6 =	simm.s32 $0x108;
	_ =	swait.ge @!p0 [sflag:s8], $0x0  }
0x24: {  	s3 =	sadd.s32 $0x88, s3;
	s6 =	simm.s32 @!p1 $0x1082;
	[sflag:s4] =	ssyncset.s32 $0xFFFFF086  }
0x25: {  	[simem:s6], [sflag:s4] =	dma.local [hbm:s3], $0xF7A  }
0x26: {  	[smem:$0x3F99] =	sst s1;
	(tag) =	ssettag s2;
	_ =	strace s9  }
0x27: {  	s1 =	sld [smem:$0x3FA9]  }
0x28: {  	s2 =	sld [smem:$0x3FAA]  }
0x29: {  	s4 =	sld [smem:$0x3FAC]  }
0x2a: {  	p0 =	seq.s32 s5, $0x0;
	s5 =	sld [smem:$0x3FAD]  }
0x2b: {  	s6 =	sld [smem:$0x3FAE]  }
0x2c: {  	s7 =	sld [smem:$0x3FAF]  }
0x2d: {  	s3 =	simm.s32 $0x108;
	s8 =	sld [smem:$0x3FB0]  }
0x2e: {  	s3 =	simm.s32 @!p0 $0x1082;
	s9 =	sld [smem:$0x3FB1]  }
0x2f: {  	lr =	sadd.s32 s0, s3;
	s0 =	sld [smem:$0x3FA8]  }
0x30: {  	s3 =	sld [smem:$0x3FAB]  }
0x31: {  	[smem:$0x3FB4] =	sst s10  }
0x32: {  	s10 =	sld [smem:$0x3FB2];
	_ =	sdelay $0x3  }
0x33: {  	p0 =	seq.s32 s10, $0x1;
	s10 =	sld [smem:$0x3FB4];
	_ =	sdelay $0x3  }
0x34: {  	[smem:$0x3FB4] =	sst s10  }
0x35: {  	s10 =	sld [smem:$0x3FB3];
	_ =	sdelay $0x3  }
0x36: {  	p1 =	seq.s32 s10, $0x1;
	s10 =	sld [smem:$0x3FB4];
	_ =	sdelay $0x3  }
0x37: {  	[smem:$0x3FB4] =	sst s10  }
0x38: {  	s10 =	sld [smem:$0x3FB5]  }
0x39: {  	_ = 	snop;
	(pc) =	sbr.ind lr, $3  }
0x3a: {  	_ = 	snop  }
0x3b: {  	_ = 	snop  }
0x3c: {  	p2 =	seq.s32 s10, $0x1;
	s10 =	sld [smem:$0x3FB4]  }
0x3d: {  	_ =	shalt  }
0x3e: {  	_ =	shalt  }
0x3f: {  	_ =	shalt  }
0x40: {  	_ =	shalt  }
0x41: {  	_ =	shalt  }
0x42: {  	_ =	shalt  }
0x43: {  	_ =	shalt  }
0x44: {  	_ =	shalt  }
0x45: {  	_ =	shalt  }
0x46: {  	_ =	shalt  }
0x47: {  	_ =	shalt  }
0x48: {  	_ =	shalt  }
0x49: {  	_ =	shalt  }
0x4a: {  	_ =	shalt  }
0x4b: {  	_ =	shalt  }
0x4c: {  	_ =	shalt  }
0x4d: {  	_ =	shalt  }
0x4e: {  	_ =	shalt  }
0x4f: {  	_ =	shalt  }
0x50: {  	_ =	shalt  }
0x51: {  	_ =	shalt  }
0x52: {  	_ =	shalt  }
0x53: {  	_ =	shalt  }
0x54: {  	_ =	shalt  }
0x55: {  	_ =	shalt  }
0x56: {  	_ =	shalt  }
0x57: {  	_ =	shalt  }
0x58: {  	_ =	shalt  }
0x59: {  	_ =	shalt  }
0x5a: {  	_ =	shalt  }
0x5b: {  	_ =	shalt  }
0x5c: {  	_ =	shalt  }
0x5d: {  	_ =	shalt  }
0x5e: {  	_ =	shalt  }
0x5f: {  	_ =	shalt  }
0x60: {  	_ =	shalt  }
0x61: {  	_ =	shalt  }
0x62: {  	_ =	shalt  }
0x63: {  	_ =	shalt  }
0x64: {  	_ =	shalt  }
0x65: {  	_ =	shalt  }
0x66: {  	_ =	shalt  }
0x67: {  	_ =	shalt  }
0x68: {  	_ =	shalt  }
0x69: {  	_ =	shalt  }
0x6a: {  	_ =	shalt  }
0x6b: {  	_ =	shalt  }
0x6c: {  	_ =	shalt  }
0x6d: {  	_ =	shalt  }
0x6e: {  	_ =	shalt  }
0x6f: {  	_ =	shalt  }
0x70: {  	_ =	shalt  }
0x71: {  	_ =	shalt  }
0x72: {  	_ =	shalt  }
0x73: {  	_ =	shalt  }
0x74: {  	_ =	shalt  }
0x75: {  	_ =	shalt  }
0x76: {  	_ =	shalt  }
0x77: {  	_ =	shalt  }
0x78: {  	_ =	shalt  }
0x79: {  	_ =	shalt  }
0x7a: {  	_ =	shalt  }
0x7b: {  	_ =	shalt  }
0x7c: {  	_ =	shalt  }
0x7d: {  	_ =	shalt  }
0x7e: {  	_ =	shalt  }
0x7f: {  	_ =	shalt  }
0x80: {  	_ =	shalt  }
0x81: {  	_ =	shalt  }
0x82: {  	_ =	shalt  }
0x83: {  	_ =	shalt  }
0x84: {  	_ =	shalt  }
0x85: {  	_ =	shalt  }
0x86: {  	_ =	shalt  }
0x87: {  	_ =	shalt  }
.Lfunc_end0:
.L_simem_size_0:
called_computation.3_lowered:
.L_overlay_start_0:
0x88: {  	s2 =	sld [smem:$0x3FD9]  }
0x89: {  	s3 =	sld [smem:$0x3FFE];
	_ =	sdelay $0x1  }
0x8a: {  	s1 =	srdreg.scid  }
0x8b: {  	s0 =	sand.u32 $0x1, s1  }
0x8c: {  	s16 =	sshll.u32 s0, $0xA;
	s2 =	sadd.s32 s3, s2  }
0x8d: {  	s2 =	sadd.s32 s2, s16  }
0x8e: {  	[smem:$0x3FC0] =	sst s2  }
0x8f: {  	_ = 	snop  }
0x90: {  	(tm) =	ssettm $0x1  }
0x91: {  	s17 =	sld [smem:$0x3FFB];
	_ =	sdelay $0x3  }
0x92: {  	_ =	strace s17  }
0x93: {  	s2 =	sld [smem:$0x3FFC];
	_ =	sdelay $0x3  }
0x94: {  	_ =	strace s2  }
0x95: {  	s2 =	sld [smem:$0x3FFD];
	_ =	sdelay $0x3  }
0x96: {  	_ =	strace s2  }
0x97: {  	_ =	strace $0x8FFFFFFF  }
0x98: {  	s18 =	sld [smem:$0x3FDB];
	_ =	sdelay $0x1  }
0x99: {  	s19 =	simm.s32 $_scs_section_size  }
0x9a: {  	s4 =	simm.s32 $_size__tile_overlayer_lowered;
	s5 =	simm.s32 $_tile_overlayer_lowered  }
0x9b: {  	s22 =	simm.s32 $0x1BFF;
	s21 =	sshll.u32 s5, $0x1;
	s2 =	sadd.s32 s19, s18  }
0x9c: {  	s6 =	simm.s32 $0x0;
	s20 =	sshll.u32 s4, $0x1;
	s4 =	sadd.s32 s21, s2  }
0x9d: {  	[timem:s6], [sflag:s22] =	dma.local [hbm:s4], s20  }
0x9e: {  	_ =	swait.ge [sflag:s22], s20  }
0x9f: {  	s3 =	ssub.s32 $0x0, s20;
	[sflag:s22] =	ssyncset.done $0x0  }
0xa0: {  	[sflag:s22] =	ssyncadd.s32 s3;
	_ =	sdelay $0x1  }
0xa1: {  	s23 =	simm.s32 $0x1B8B  }
0xa2: {  	_ =	swait.ge [sflag:s23], $0x1  }
0xa3: {  	[sflag:s23] =	ssyncset.done $0x0  }
0xa4: {  	s25 =	simm.s32 $0x1B8E;
	s24 =	sld [smem:$0x3FFE];
	[sflag:s23] =	ssyncadd.s32 $0xFFFFFFFF  }
0xa5: {  	s26 =	simm.s32 $execute0_lowered;
	[smem:$0x3FD2] =	sst s25  }
0xa6: {  	s4 =	sshll.u32 s26, $0x1;
	_ =	strace $0x8000004F;
	[dreg:$0x1] =	wrdreg $0xFFFFFFFF  }
0xa7: {  	s28 =	simm.s32 $_size_execute0_lowered;
	s2 =	sadd.s32 s2, s4;
	[dreg:$0x0] =	wrdreg $0x0  }
0xa8: {  	s4 =	sshll.u32 s28, $0x1;
	[dreg:$0x2] =	wrdreg s2  }
0xa9: {  	[dreg:$0x3] =	wrdreg s4  }
0xaa: {  	[dreg:$0x4] =	wrdreg $0xC0  }
0xab: {  	_ =	task [dreg:s6], $0x5FFFF  }
0xac: {  	[dreg:$0x1] =	wrdreg $0xFFFFFFFF  }
0xad: {  	[dreg:$0x0] =	wrdreg $0x60  }
0xae: {  	[dreg:$0x2] =	wrdreg s24  }
0xaf: {  	[dreg:$0x3] =	wrdreg $0xA8000  }
0xb0: {  	[dreg:$0x4] =	wrdreg $0x9  }
0xb1: {  	_ =	task.clear_ibuf [dreg:s6], $0x5FFFF;
	_ =	strace $0x9000004F  }
0xb2: {  	s29 =	simm.s32 $0x9;
	_ =	strace $0x80000051  }
0xb3: {  	_ =	swait.ge [sflag:s29], $0x1  }
0xb4: {  	[sflag:s29] =	ssyncadd.s32 $0xFFFFFFFF  }
0xb5: {  	_ =	strace $0x90000051  }
0xb6: {  	_ =	sfence  }
0xb7: {  	s30 =	sld [smem:$0x0];
	_ =	sdelay $0x2  }
0xb8: {  	s31 =	sshll.u32 s1, $0xD;
	s1 =	sshrl.u32 s1, $0x2  }
0xb9: {  	s3 =	sand.u32 $0x4000, s31;
	s1 =	sadd.s32 s1, s30  }
0xba: {  	s0 =	sor.u32 s3, s0;
	s1 =	sshll.u32 s1, $0x11  }
0xbb: {  	s0 =	sor.u32 s1, s0  }
0xbc: {  	s0 =	sadd.s32 $0x8F2B, s0  }
0xbd: {  	[sflag:s0] =	ssyncadd.remote.s32 $0x1  }
0xbe: {  	_ =	sfence.sel $0xFFFF  }
0xbf: {  	[dreg:$0x0] =	wrdreg $0xFFFFFFFF;
	(pc) =	sbr.abs _section_cstart, $3  }
0xc0: {  	[dreg:$0x1] =	wrdreg $0xFFFFFFFF  }
0xc1: {  	_ =	task.clear_ibuf [dreg:s6], $0x2FFFF;
	_ =	strace $0x9FFFFFFF  }
0xc2: {  	(tm) =	ssettm $0x7FFFFFFF  }
0xc3: {  	_ =	shalt  }
tec
execute0_lowered:
.L_overlay_start_1:
0x0: {  	(tag) =	ssettag $0x1  }
0x1: {  	s7 =	rddreg [dreg:$0x0]  }
0x2: {  	s0 =	srdreg.scid;
	s2 =	rddreg [dreg:$0x1]  }
0x3: {  	s3 =	simm.s32 $0x0;
	s15 =	simm.s32 $0x1400;
	s16 =	simm.s32 $0x80  }
0x4: {  	s17 =	simm.s32 $0x2800;
	s6 =	sand.u32 $0x1, s0;
	s0 =	stileid.u32  }
0x5: {  	s18 =	simm.s32 $0x6800;
	s19 =	simm.s32 $0x1;
	s8 =	smul.u32 $0x500, s0  }
0x6: {  	s20 =	simm.s32 $0x2;
	s21 =	simm.s32 $0x1380;
	s9 =	smul.u32 $0x28000, s6  }
0x7: {  	s22 =	simm.s32 $0x2700;
	s23 =	simm.s32 $0x2780;
	s25 =	smul.u32 $0x2800, s0  }
0x8: {  	[smem:$0x7FF] =	sst s3;
	s1 =	sshll.u32 s6, $0x4;
	s10 =	smul.u32 $0x51000, s0  }
0x9: {  	s6 =	ssub.s32 $0x2, s6;
	s13 =	smul.u32 $0x50000, s0;
	s30 =	sshll.u32 s0, $0x6  }
0xa: {  	s4 =	sor.u32 s0, s1;
	s1 =	rddreg [dreg:$0x2];
	_ =	strace $0x80000050  }
0xb: {  	s26 =	sshrl.u32 s6, $0x1;
	s5 =	smul.u32 $0x500, s4;
	s4 =	sadd.s32 $0x5800, s7  }
0xc: {  	s12 =	sadd.s32 s8, s7;
	s8 =	sadd.s32 s25, s9;
	s28 =	ssub.s32 s6, s26  }
0xd: {  	s29 =	sshrl.u32 s10, $0x2;
	s31 =	sshrl.u32 s13, $0x2;
	s6 =	sor.u32 $0x1C03, s30  }
0xe: {  	s25 =	simm.s32 $0x0;
	s14 =	sadd.s32 s29, s2;
	s24 =	sadd.s32 s31, s2  }
0xf: {  	s10 =	sadd.s32 $0x55800, s12;
	s12 =	sadd.s32 $0x55A80, s12;
	s11 =	sadd.s32 s5, s7  }
0x10: {  	s5 =	sadd.s32 $0x2E00, s7;
	s7 =	sadd.s32 s8, s7;
	s8 =	smax.u32 s28, $0x1  }
0x11: {  	s13 =	sshrl.u32 s14, $0x3;
	s14 =	simm.s32 $0x3;
	s24 =	sshrl.u32 s24, $0x3  }
0x12: {  	s7 =	sadd.s32 $0x64800, s7;
	s9 =	sadd.s32 $0x5A800, s11;
	s11 =	sadd.s32 $0x5AA80, s11  }
.LBB2_1:
0x13: {  	[spmem:s13], [sflag:s6] =	dma.local [hbm:s5], $0x2880  }
0x14: {  	_ =	swait.ge [sflag:s14], $0x2880  }
0x15: {  	[sflag:s14] =	ssyncset.done $0x0  }
0x16: {  	[sflag:s14] =	ssyncadd.s32 $0xFFFFD780  }
0x17: {  	[bflag:$0x0] =	sbarrier.arrive $0xFFFF  }
0x18: {  	[tilespmem:s3], [sflag:$0x3] =	stream.linear.gather [hbm4b:s9+s3], $0x1400, $0x38;
	[tilespmem:$0x1EC00] =	vst v63  }
0x19: {  	_ =	swait.ge [sflag:s14], $0x1400  }
0x1a: {  	[sflag:s14] =	ssyncset.done $0x0  }
0x1b: {  	[sflag:s14] =	ssyncadd.s32 $0xFFFFEC00  }
0x1c: {  	[tilespmem:s15], [sflag:$0x3] =	stream.linear.gather [hbm4b:s10+s3], $0x1400, $0x38;
	[tilespmem:$0x1EC00] =	vst v63  }
0x1d: {  	_ =	swait.ge [sflag:s14], $0x1400  }
0x1e: {  	[sflag:s14] =	ssyncset.done $0x0  }
0x1f: {  	[sflag:s14] =	ssyncadd.s32 $0xFFFFEC00  }
0x20: {  	[tilespmem:s17], [sflag:$0x1] =	stream.indirect.gather [hbm4b:s4+s16], $0x80, s3, s16, $0xb8;
	[tilespmem:$0x1EC00] =	vst v63  }
0x21: {  	s26 =	simm.s32 $0x80  }
0x22: {  	[tilespmem:s18], [sflag:$0x2] =	stream.indirect.gather [hbm4b:s4+s16], $0x80, s26, s16, $0xb8;
	[tilespmem:$0x1EC00] =	vst v63  }
0x23: {  	_ =	swait.ge [sflag:s19], $0x4000  }
0x24: {  	[sflag:s19] =	ssyncset.done $0x0  }
0x25: {  	s29 =	simm.s32 $0x1400;
	[sflag:s19] =	ssyncadd.s32 $0xFFFFC000  }
0x26: {  	[spmem:s2] =	stream.indirect.scatter.add.f32 [tilespmem:s17], [sflag:$0x3], $0x80, s29, s16, $0xb8;
	[tilespmem:$0x1EC00] =	vst v63  }
0x27: {  	_ =	swait.ge [sflag:s14], $0x4000  }
0x28: {  	[sflag:s14] =	ssyncset.done $0x0  }
0x29: {  	s30 =	simm.s32 $0x100;
	[sflag:s14] =	ssyncadd.s32 $0xFFFFC000  }
0x2a: {  	[tilespmem:s17], [sflag:$0x1] =	stream.indirect.gather [hbm4b:s4+s16], $0x80, s30, s16, $0xb8;
	[tilespmem:$0x1EC00] =	vst v63  }
0x2b: {  	_ =	swait.ge [sflag:s20], $0x4000  }
0x2c: {  	[sflag:s20] =	ssyncset.done $0x0  }
0x2d: {  	s31 =	simm.s32 $0x1480;
	[sflag:s20] =	ssyncadd.s32 $0xFFFFC000  }
0x2e: {  	[spmem:s2] =	stream.indirect.scatter.add.f32 [tilespmem:s18], [sflag:$0x3], $0x80, s31, s16, $0xb8;
	[tilespmem:$0x1EC00] =	vst v63  }
0x2f: {  	_ =	swait.ge [sflag:s14], $0x4000  }
0x30: {  	s28 =	simm.s32 $0x800;
	s26 =	simm.s32 $0x100;
	[sflag:s14] =	ssyncset.done $0x0  }
.LBB2_2:
0x31: {  	s29 =	sadd.s32 $0x80, s26  }
0x32: {  	[sflag:s14] =	ssyncadd.s32 $0xFFFFC000;
	s30 =	smov.u32 s28;
	s31 =	sadd.s32 $0x400, s28  }
0x33: {  	[tilespmem:s18], [sflag:$0x2] =	stream.indirect.gather [hbm4b:s4+s16], $0x80, s29, s16, $0xb8;
	[tilespmem:$0x1EC00] =	vst v63  }
0x34: {  	p0 =	sne.s32 s28, $0x4800;
	_ =	swait.ge [sflag:s19], $0x4000  }
0x35: {  	[sflag:s19] =	ssyncset.done $0x0  }
0x36: {  	s28 =	sadd.s32 $0x1400, s26;
	[sflag:s19] =	ssyncadd.s32 $0xFFFFC000  }
0x37: {  	[spmem:s2] =	stream.indirect.scatter.add.f32 [tilespmem:s17], [sflag:$0x3], $0x80, s28, s16, $0xb8;
	[tilespmem:$0x1EC00] =	vst v63  }
0x38: {  	_ =	swait.ge [sflag:s14], $0x4000  }
0x39: {  	[sflag:s14] =	ssyncset.done $0x0  }
0x3a: {  	s28 =	sadd.s32 $0x100, s26;
	[sflag:s14] =	ssyncadd.s32 $0xFFFFC000  }
0x3b: {  	[tilespmem:s17], [sflag:$0x1] =	stream.indirect.gather [hbm4b:s4+s16], $0x80, s28, s16, $0xb8;
	[tilespmem:$0x1EC00] =	vst v63  }
0x3c: {  	_ =	swait.ge [sflag:s20], $0x4000  }
.Ltmp0:
0x3d: {  	[sflag:s20] =	ssyncset.done $0x0;
	(pc) =	sbr.rel @p0 .LBB2_2-.Ltmp0, $4  }
0x3e: {  	s26 =	sadd.s32 $0x1480, s26;
	[sflag:s20] =	ssyncadd.s32 $0xFFFFC000  }
0x3f: {  	[spmem:s2] =	stream.indirect.scatter.add.f32 [tilespmem:s18], [sflag:$0x3], $0x80, s26, s16, $0xb8;
	[tilespmem:$0x1EC00] =	vst v63  }
0x40: {  	_ =	swait.ge [sflag:s14], $0x4000  }
0x41: {  	s28 =	smov.u32 s31;
	s26 =	sshra.s32 s30, $0x2;
	[sflag:s14] =	ssyncset.done $0x0  }
0x42: {  	s28 =	sadd.s32 $0x80, s26;
	[sflag:s14] =	ssyncadd.s32 $0xFFFFC000  }
0x43: {  	[tilespmem:s18], [sflag:$0x2] =	stream.indirect.gather [hbm4b:s4+s16], $0x80, s28, s16, $0xb8;
	[tilespmem:$0x1EC00] =	vst v63  }
0x44: {  	_ =	swait.ge [sflag:s19], $0x4000  }
0x45: {  	[sflag:s19] =	ssyncset.done $0x0  }
0x46: {  	s28 =	sadd.s32 $0x1400, s26;
	[sflag:s19] =	ssyncadd.s32 $0xFFFFC000  }
0x47: {  	[spmem:s2] =	stream.indirect.scatter.add.f32 [tilespmem:s17], [sflag:$0x3], $0x80, s28, s16, $0xb8;
	[tilespmem:$0x1EC00] =	vst v63  }
0x48: {  	_ =	swait.ge [sflag:s14], $0x4000  }
0x49: {  	[sflag:s14] =	ssyncset.done $0x0  }
0x4a: {  	s28 =	sadd.s32 $0x100, s26;
	[sflag:s14] =	ssyncadd.s32 $0xFFFFC000  }
0x4b: {  	[tilespmem:s17], [sflag:$0x1] =	stream.indirect.gather [hbm4b:s4+s16], $0x80, s28, s16, $0xb8;
	[tilespmem:$0x1EC00] =	vst v63  }
0x4c: {  	_ =	swait.ge [sflag:s20], $0x4000  }
0x4d: {  	[sflag:s20] =	ssyncset.done $0x0  }
0x4e: {  	s29 =	sadd.s32 $0x1480, s26;
	[sflag:s20] =	ssyncadd.s32 $0xFFFFC000  }
0x4f: {  	[spmem:s2] =	stream.indirect.scatter.add.f32 [tilespmem:s18], [sflag:$0x3], $0x80, s29, s16, $0xb8;
	[tilespmem:$0x1EC00] =	vst v63  }
0x50: {  	_ =	swait.ge [sflag:s14], $0x4000  }
0x51: {  	[sflag:s14] =	ssyncset.done $0x0  }
0x52: {  	[sflag:s14] =	ssyncadd.s32 $0xFFFFC000  }
0x53: {  	[tilespmem:s18], [sflag:$0x2] =	stream.indirect.gather [hbm4b:s4+s16], $0x80, s21, s16, $0xb8;
	[tilespmem:$0x1EC00] =	vst v63  }
0x54: {  	_ =	swait.ge [sflag:s19], $0x4000  }
0x55: {  	[sflag:s19] =	ssyncset.done $0x0  }
0x56: {  	[sflag:s19] =	ssyncadd.s32 $0xFFFFC000  }
0x57: {  	[spmem:s2] =	stream.indirect.scatter.add.f32 [tilespmem:s17], [sflag:$0x3], $0x80, s22, s16, $0xb8;
	[tilespmem:$0x1EC00] =	vst v63  }
0x58: {  	_ =	swait.ge [sflag:s14], $0x4000  }
0x59: {  	[sflag:s14] =	ssyncset.done $0x0  }
0x5a: {  	[sflag:s14] =	ssyncadd.s32 $0xFFFFC000  }
0x5b: {  	_ =	swait.ge [sflag:s20], $0x4000  }
0x5c: {  	[sflag:s20] =	ssyncset.done $0x0  }
0x5d: {  	[sflag:s20] =	ssyncadd.s32 $0xFFFFC000  }
0x5e: {  	[spmem:s2] =	stream.indirect.scatter.add.f32 [tilespmem:s18], [sflag:$0x3], $0x80, s23, s16, $0xb8;
	[tilespmem:$0x1EC00] =	vst v63  }
0x5f: {  	_ =	swait.ge [sflag:s14], $0x4000  }
0x60: {  	[sflag:s14] =	ssyncset.done $0x0  }
0x61: {  	s30 =	simm.s32 $0x0;
	[sflag:s14] =	ssyncadd.s32 $0xFFFFC000  }
0x62: {  	[tilespmem:s30], [sflag:$0x3] =	stream.linear.gather [hbm4b:s11+s30], $0x1400, $0x38;
	[tilespmem:$0x1EC00] =	vst v63  }
0x63: {  	_ =	swait.ge [sflag:s14], $0x1400  }
0x64: {  	[sflag:s14] =	ssyncset.done $0x0  }
0x65: {  	[sflag:s14] =	ssyncadd.s32 $0xFFFFEC00  }
0x66: {  	[tilespmem:s15], [sflag:$0x3] =	stream.linear.gather [hbm4b:s12+s30], $0x1400, $0x38;
	[tilespmem:$0x1EC00] =	vst v63  }
0x67: {  	_ =	swait.ge [sflag:s14], $0x1400  }
0x68: {  	[sflag:s14] =	ssyncset.done $0x0  }
0x69: {  	[sflag:s14] =	ssyncadd.s32 $0xFFFFEC00  }
0x6a: {  	[tilespmem:s17], [sflag:$0x1] =	stream.indirect.gather [hbm4b:s4+s16], $0x80, s30, s16, $0xb8;
	[tilespmem:$0x1EC00] =	vst v63  }
0x6b: {  	s31 =	simm.s32 $0x80  }
0x6c: {  	[tilespmem:s18], [sflag:$0x2] =	stream.indirect.gather [hbm4b:s4+s16], $0x80, s31, s16, $0xb8;
	[tilespmem:$0x1EC00] =	vst v63  }
0x6d: {  	_ =	swait.ge [sflag:s19], $0x4000  }
0x6e: {  	[sflag:s19] =	ssyncset.done $0x0  }
0x6f: {  	s29 =	simm.s32 $0x1400;
	[sflag:s19] =	ssyncadd.s32 $0xFFFFC000  }
0x70: {  	[spmem:s2] =	stream.indirect.scatter.add.f32 [tilespmem:s17], [sflag:$0x3], $0x80, s29, s16, $0xb8;
	[tilespmem:$0x1EC00] =	vst v63  }
0x71: {  	_ =	swait.ge [sflag:s14], $0x4000  }
0x72: {  	[sflag:s14] =	ssyncset.done $0x0  }
0x73: {  	s30 =	simm.s32 $0x100;
	[sflag:s14] =	ssyncadd.s32 $0xFFFFC000  }
0x74: {  	[tilespmem:s17], [sflag:$0x1] =	stream.indirect.gather [hbm4b:s4+s16], $0x80, s30, s16, $0xb8;
	[tilespmem:$0x1EC00] =	vst v63  }
0x75: {  	_ =	swait.ge [sflag:s20], $0x4000  }
0x76: {  	[sflag:s20] =	ssyncset.done $0x0  }
0x77: {  	s31 =	simm.s32 $0x1480;
	[sflag:s20] =	ssyncadd.s32 $0xFFFFC000  }
0x78: {  	[spmem:s2] =	stream.indirect.scatter.add.f32 [tilespmem:s18], [sflag:$0x3], $0x80, s31, s16, $0xb8;
	[tilespmem:$0x1EC00] =	vst v63  }
0x79: {  	_ =	swait.ge [sflag:s14], $0x4000  }
0x7a: {  	s26 =	simm.s32 $0x100;
	s28 =	simm.s32 $0x800;
	[sflag:s14] =	ssyncset.done $0x0  }
.LBB2_4:
0x7b: {  	s29 =	sadd.s32 $0x80, s26  }
0x7c: {  	[sflag:s14] =	ssyncadd.s32 $0xFFFFC000;
	s30 =	smov.u32 s28;
	s31 =	sadd.s32 $0x400, s28  }
0x7d: {  	[tilespmem:s18], [sflag:$0x2] =	stream.indirect.gather [hbm4b:s4+s16], $0x80, s29, s16, $0xb8;
	[tilespmem:$0x1EC00] =	vst v63  }
0x7e: {  	p0 =	sne.s32 s28, $0x4800;
	_ =	swait.ge [sflag:s19], $0x4000  }
0x7f: {  	[sflag:s19] =	ssyncset.done $0x0  }
0x80: {  	s28 =	sadd.s32 $0x1400, s26;
	[sflag:s19] =	ssyncadd.s32 $0xFFFFC000  }
0x81: {  	[spmem:s2] =	stream.indirect.scatter.add.f32 [tilespmem:s17], [sflag:$0x3], $0x80, s28, s16, $0xb8;
	[tilespmem:$0x1EC00] =	vst v63  }
0x82: {  	_ =	swait.ge [sflag:s14], $0x4000  }
0x83: {  	[sflag:s14] =	ssyncset.done $0x0  }
0x84: {  	s28 =	sadd.s32 $0x100, s26;
	[sflag:s14] =	ssyncadd.s32 $0xFFFFC000  }
0x85: {  	[tilespmem:s17], [sflag:$0x1] =	stream.indirect.gather [hbm4b:s4+s16], $0x80, s28, s16, $0xb8;
	[tilespmem:$0x1EC00] =	vst v63  }
0x86: {  	_ =	swait.ge [sflag:s20], $0x4000  }
.Ltmp1:
0x87: {  	[sflag:s20] =	ssyncset.done $0x0;
	(pc) =	sbr.rel @p0 .LBB2_4-.Ltmp1, $4  }
0x88: {  	s26 =	sadd.s32 $0x1480, s26;
	[sflag:s20] =	ssyncadd.s32 $0xFFFFC000  }
0x89: {  	[spmem:s2] =	stream.indirect.scatter.add.f32 [tilespmem:s18], [sflag:$0x3], $0x80, s26, s16, $0xb8;
	[tilespmem:$0x1EC00] =	vst v63  }
0x8a: {  	_ =	swait.ge [sflag:s14], $0x4000  }
0x8b: {  	s28 =	smov.u32 s31;
	s26 =	sshra.s32 s30, $0x2;
	[sflag:s14] =	ssyncset.done $0x0  }
0x8c: {  	s28 =	sadd.s32 $0x80, s26;
	[sflag:s14] =	ssyncadd.s32 $0xFFFFC000  }
0x8d: {  	[tilespmem:s18], [sflag:$0x2] =	stream.indirect.gather [hbm4b:s4+s16], $0x80, s28, s16, $0xb8;
	[tilespmem:$0x1EC00] =	vst v63  }
0x8e: {  	_ =	swait.ge [sflag:s19], $0x4000  }
0x8f: {  	[sflag:s19] =	ssyncset.done $0x0  }
0x90: {  	s29 =	sadd.s32 $0x1400, s26;
	[sflag:s19] =	ssyncadd.s32 $0xFFFFC000  }
0x91: {  	[spmem:s2] =	stream.indirect.scatter.add.f32 [tilespmem:s17], [sflag:$0x3], $0x80, s29, s16, $0xb8;
	[tilespmem:$0x1EC00] =	vst v63  }
0x92: {  	_ =	swait.ge [sflag:s14], $0x4000  }
0x93: {  	[sflag:s14] =	ssyncset.done $0x0  }
0x94: {  	s30 =	sadd.s32 $0x100, s26;
	[sflag:s14] =	ssyncadd.s32 $0xFFFFC000  }
0x95: {  	[tilespmem:s17], [sflag:$0x1] =	stream.indirect.gather [hbm4b:s4+s16], $0x80, s30, s16, $0xb8;
	[tilespmem:$0x1EC00] =	vst v63  }
0x96: {  	_ =	swait.ge [sflag:s20], $0x4000  }
0x97: {  	[sflag:s20] =	ssyncset.done $0x0  }
0x98: {  	s31 =	sadd.s32 $0x1480, s26;
	[sflag:s20] =	ssyncadd.s32 $0xFFFFC000  }
0x99: {  	[spmem:s2] =	stream.indirect.scatter.add.f32 [tilespmem:s18], [sflag:$0x3], $0x80, s31, s16, $0xb8;
	[tilespmem:$0x1EC00] =	vst v63  }
0x9a: {  	_ =	swait.ge [sflag:s14], $0x4000  }
0x9b: {  	[sflag:s14] =	ssyncset.done $0x0  }
0x9c: {  	[sflag:s14] =	ssyncadd.s32 $0xFFFFC000  }
0x9d: {  	[tilespmem:s18], [sflag:$0x2] =	stream.indirect.gather [hbm4b:s4+s16], $0x80, s21, s16, $0xb8;
	[tilespmem:$0x1EC00] =	vst v63  }
0x9e: {  	_ =	swait.ge [sflag:s19], $0x4000  }
0x9f: {  	[sflag:s19] =	ssyncset.done $0x0  }
0xa0: {  	[sflag:s19] =	ssyncadd.s32 $0xFFFFC000  }
0xa1: {  	[spmem:s2] =	stream.indirect.scatter.add.f32 [tilespmem:s17], [sflag:$0x3], $0x80, s22, s16, $0xb8;
	[tilespmem:$0x1EC00] =	vst v63  }
0xa2: {  	_ =	swait.ge [sflag:s14], $0x4000  }
0xa3: {  	[sflag:s14] =	ssyncset.done $0x0  }
0xa4: {  	[sflag:s14] =	ssyncadd.s32 $0xFFFFC000  }
0xa5: {  	_ =	swait.ge [sflag:s20], $0x4000  }
0xa6: {  	[sflag:s20] =	ssyncset.done $0x0  }
0xa7: {  	[sflag:s20] =	ssyncadd.s32 $0xFFFFC000  }
0xa8: {  	[spmem:s2] =	stream.indirect.scatter.add.f32 [tilespmem:s18], [sflag:$0x3], $0x80, s23, s16, $0xb8;
	[tilespmem:$0x1EC00] =	vst v63  }
0xa9: {  	_ =	swait.ge [sflag:s14], $0x4000  }
0xaa: {  	s25 =	sadd.s32 $0x1, s25;
	[sflag:s14] =	ssyncset.done $0x0  }
0xab: {  	p0 =	sne.s32 s25, s8;
	[sflag:s14] =	ssyncadd.s32 $0xFFFFC000  }
.Ltmp2:
0xac: {  	[bflag:$0x0] =	sbarrier.arrive $0xFFFF;
	(pc) =	sbr.rel @p0 .LBB2_1-.Ltmp2, $4  }
0xad: {  	[hbm:s7], [sflag:s6] =	dma.local [spmem:s24], $0x2800  }
0xae: {  	_ =	swait.ge [sflag:s14], $0x2800  }
0xaf: {  	[sflag:s14] =	ssyncset.done $0x0  }
0xb0: {  	[sflag:s14] =	ssyncadd.s32 $0xFFFFD800  }
0xb1: {  	_ =	sfence.sel $0x180000  }
0xb2: {  	[bflag:$0x0] =	sbarrier.arrive $0xFFFF  }
0xb3: {  	p0 =	sne.s32 s0, $0x0;
	_ =	strace $0x90000050  }
0xb4: {  	s0 =	sadd.s32 @!p0 $0x100000, s1;
	[bflag:$0x2] =	sbarrier.arrive $0xFFFF  }
0xb5: {  	[sflag:s0] =	ssyncadd.tile.s32 @!p0 $0x1;
	_ =	shalt  }
.Lfunc_end2:
_tile_overlayer_lowered:
.L_overlay_start_2:
0xb6: {  	(tag) =	ssettag $0x2  }
0xb7: {  	s0 =	rddreg [dreg:$0x0];
	s2 =	stileid.u32  }
0xb8: {  	s1 =	rddreg [dreg:$0x1];
	p0 =	sne.s32 s2, $0x0  }
0xb9: {  	s3 =	rddreg [dreg:$0x2];
	[bflag:$0x3] =	sbarrier.arrive $0xFFFF;
	s2 =	simm.s32 @!p0 $0x1C03  }
0xba: {  	[timem:s3], [sflag:s2] =	dma.local @!p0 [hbm:s0], s1  }
0xbb: {  	s0 =	simm.s32 @!p0 $0x3  }
0xbc: {  	_ =	swait.ge @!p0 [sflag:s0], s1  }
0xbd: {  	s1 =	ssub.s32 @!p0 $0x0, s1;
	[sflag:s0] =	ssyncset.done @!p0 $0x0  }
0xbe: {  	[sflag:s0] =	ssyncadd.s32 @!p0 s1  }
0xbf: {  	[bflag:$0x3] =	sbarrier.arrive $0xFFFF  }
0xc0: {  	_ =	shalt  }

</sc_bundles>
